<compile_context>
chip_gen: v7x
topology: tpu7x:2x2x1
jax: 0.10.2.dev20260603
libtpu: 0.0.44.dev20260713+nightly
codegen_flags: <defaults>
</compile_context>

<pallas_src>
import functools

import jax
import jax.numpy as jnp
from jax import lax
from jax.experimental import pallas as pl
from jax.experimental.pallas import tpu as pltpu
from jax.experimental.pallas import tpu_sc as plsc

EPS = 1e-12
L = 16
LN2 = 0.6931471805599453
SQRT2 = 1.4142135381698608


def _tile_linear_1d(x):
    b, n = x.shape
    return x.reshape(b // 128, 128, n // 8, 8).transpose(2, 0, 3, 1).reshape(b * n)


def kernel(P_vocab, attn_dist, p_gen, target_idx, copy_idx):
    B, V = P_vocab.shape
    S = attn_dist.shape[1]

    pv1 = _tile_linear_1d(P_vocab)
    at1 = _tile_linear_1d(attn_dist)
    pg1 = p_gen.reshape(B)
    tg = target_idx.astype(jnp.int32)
    cp = copy_idx.astype(jnp.int32)

    info = plsc.get_sparse_core_info()
    NW = info.num_subcores
    b_per_w = B // NW
    n_chunks = b_per_w // L

    mesh = plsc.VectorSubcoreMesh(core_axis_name="c", subcore_axis_name="s",
                                  num_cores=1)

    @functools.partial(
        pl.kernel,
        mesh=mesh,
        compiler_params=pltpu.CompilerParams(needs_layout_passes=False),
        out_type=jax.ShapeDtypeStruct((L,), jnp.float32),
        scratch_types=[
            pltpu.VMEM((b_per_w,), jnp.int32),
            pltpu.VMEM((b_per_w,), jnp.int32),
            pltpu.VMEM((b_per_w,), jnp.float32),
            pltpu.VMEM((b_per_w,), jnp.int32),
            pltpu.VMEM((b_per_w,), jnp.int32),
            pltpu.VMEM((b_per_w,), jnp.float32),
            pltpu.VMEM((b_per_w,), jnp.float32),
            pltpu.VMEM((L,), jnp.float32),
            pltpu.VMEM((NW * L,), jnp.float32),
            pltpu.VMEM((L,), jnp.float32),
            pltpu.VMEM_SHARED((NW * L,), jnp.float32),
            pltpu.SemaphoreType.DMA,
            pltpu.SemaphoreType.DMA,
        ],
    )
    def gather_k(pv_hbm, at_hbm, pg_hbm, tg_hbm, cp_hbm, out_hbm,
                 tg_v, cp_v, pg_v, pidx_v, aidx_v, psel_v, asel_v,
                 part_v, accbuf, outbuf, shared, sem_p, sem_a):
        wid = lax.axis_index("s")
        base = wid * b_per_w
        w1 = pltpu.async_copy(tg_hbm.at[pl.ds(base, b_per_w)], tg_v, sem_p)
        w2 = pltpu.async_copy(cp_hbm.at[pl.ds(base, b_per_w)], cp_v, sem_a)
        w3 = pltpu.async_copy(pg_hbm.at[pl.ds(base, b_per_w)], pg_v, sem_p)
        w1.wait()
        w2.wait()
        w3.wait()

        iot = lax.iota(jnp.int32, L)
        for j in range(n_chunks):
            sl = pl.ds(j * L, L)
            bvec = base + j * L + iot
            t = jnp.minimum(jnp.maximum(tg_v[sl], 0), V - 1)
            bpart = lax.shift_right_logical(bvec, 7) * 1024 + (bvec & 127)
            pidx_v[sl] = (lax.shift_right_logical(t, 3) * 8192
                          + (t & 7) * 128 + bpart)
        cp_p = pltpu.async_copy(pv_hbm.at[pidx_v], psel_v, sem_p)
        for j in range(n_chunks):
            sl = pl.ds(j * L, L)
            bvec = base + j * L + iot
            c = jnp.minimum(jnp.maximum(cp_v[sl], 0), S - 1)
            bpart = lax.shift_right_logical(bvec, 7) * 1024 + (bvec & 127)
            aidx_v[sl] = (lax.shift_right_logical(c, 3) * 8192
                          + (c & 7) * 128 + bpart)
        cp_a = pltpu.async_copy(at_hbm.at[aidx_v], asel_v, sem_a)
        cp_p.wait()
        cp_a.wait()

        acc = iot.astype(jnp.float32) * 0.0
        for j in range(n_chunks):
            sl = pl.ds(j * L, L)
            g = tg_v[sl] < V
            pgv = pg_v[sl]
            x = jnp.where(g, pgv * psel_v[sl] + EPS,
                          (1.0 - pgv) * asel_v[sl] + EPS)
            bits = plsc.bitcast(x, jnp.int32)
            e = lax.shift_right_arithmetic(bits, 23) - 127
            m = plsc.bitcast((bits & 0x7FFFFF) | 0x3F800000, jnp.float32)
            big = m > SQRT2
            m = jnp.where(big, m * 0.5, m)
            ef = (e + big.astype(jnp.int32)).astype(jnp.float32)
            s = (m - 1.0) / (m + 1.0)
            z = s * s
            p = (1.0 / 9.0) * z + (1.0 / 7.0)
            p = p * z + 0.2
            p = p * z + (1.0 / 3.0)
            p = p * z + 1.0
            acc = acc + ef * LN2 + 2.0 * s * p
        part_v[pl.ds(0, L)] = acc
        pltpu.sync_copy(part_v, shared.at[pl.ds(wid * L, L)])
        plsc.subcore_barrier()

        @pl.when(wid == 0)
        def _():
            pltpu.sync_copy(shared, accbuf)
            tot = accbuf[pl.ds(0, L)]
            for w in range(1, NW):
                tot = tot + accbuf[pl.ds(w * L, L)]
            r = jnp.sum(tot) * (-1.0 / B)
            outbuf[pl.ds(0, L)] = r + iot.astype(jnp.float32) * 0.0
            pltpu.sync_copy(outbuf, out_hbm)

    loss = gather_k(pv1, at1, pg1, tg, cp)
    return loss[0]

# --- scband reference (transcript-rebuilt; emitter-appended) ---
"""Pipeline reference for scband-pointer-generator-loss-32427003085179 (READ-ONLY COPY).

The authoritative reference and input builder live on the scoring server;
editing this copy changes nothing except your own understanding.
"""

import jax, jax.numpy as jnp
import numpy as np

EPS = 1e-12

def setup_inputs(seed: int = 0) -> dict:
    key = jax.random.key(seed)
    k1, k2, k3, k4, k5 = jax.random.split(key, 5)
    B, V, S = 1024, 100000, 200
    P_vocab = jax.random.uniform(k1, (B, V), dtype=jnp.float32)
    attn_dist = jax.random.uniform(k2, (B, S), dtype=jnp.float32)
    p_gen = jax.random.uniform(k3, (B, 1), dtype=jnp.float32)
    target_idx = jax.random.randint(k4, (B,), 0, V, dtype=jnp.int64) if jax.config.jax_enable_x64 else jax.random.randint(k4, (B,), 0, V, dtype=jnp.int32)
    copy_idx = jax.random.randint(k5, (B,), 0, S, dtype=jnp.int32)
    return {"P_vocab": P_vocab, "attn_dist": attn_dist, "p_gen": p_gen, "target_idx": target_idx, "copy_idx": copy_idx}

def reference(P_vocab, attn_dist, p_gen, target_idx, copy_idx):
    vocab_size = P_vocab.shape[1]
    P_vocab_selected = jnp.take_along_axis(P_vocab, target_idx[:, None], axis=1)[:, 0]
    P_copy_selected = jnp.take_along_axis(attn_dist, copy_idx[:, None], axis=1)[:, 0]
    g = (target_idx < vocab_size).astype(jnp.float32)
    pg = p_gen[:, 0]
    gen_term = g * jnp.log(pg * P_vocab_selected + EPS)
    copy_term = (1.0 - g) * jnp.log((1.0 - pg) * P_copy_selected + EPS)
    loss = -(gen_term + copy_term)
    return jnp.mean(loss)

if __name__ == "__main__":
    import jax
    _d = setup_inputs()
    print(jax.jit(kernel)(*tuple(_d.values())))

</pallas_src>

<mosaic_0001>
#map = affine_map<(d0, d1) -> (0)>
module attributes {stable_mosaic.version = 14 : i64} {
  func.func @gather_k(%arg0: i32, %arg1: i32, %arg2: memref<102400000xf32, #tpu.memory_space<hbm>>, %arg3: memref<204800xf32, #tpu.memory_space<hbm>>, %arg4: memref<1024xf32, #tpu.memory_space<hbm>>, %arg5: memref<1024xi32, #tpu.memory_space<hbm>>, %arg6: memref<1024xi32, #tpu.memory_space<hbm>>, %arg7: memref<16xf32, #tpu.memory_space<hbm>>, %arg8: memref<64xi32, #tpu.memory_space<vmem>>, %arg9: memref<64xi32, #tpu.memory_space<vmem>>, %arg10: memref<64xf32, #tpu.memory_space<vmem>>, %arg11: memref<64xi32, #tpu.memory_space<vmem>>, %arg12: memref<64xi32, #tpu.memory_space<vmem>>, %arg13: memref<64xf32, #tpu.memory_space<vmem>>, %arg14: memref<64xf32, #tpu.memory_space<vmem>>, %arg15: memref<16xf32, #tpu.memory_space<vmem>>, %arg16: memref<256xf32, #tpu.memory_space<vmem>>, %arg17: memref<16xf32, #tpu.memory_space<vmem>>, %arg18: memref<256xf32, #tpu.memory_space<vmem_shared>>, %arg19: memref<!tpu.dma_semaphore, #tpu.memory_space<semaphore_mem>>, %arg20: memref<!tpu.dma_semaphore, #tpu.memory_space<semaphore_mem>>) attributes {dimension_semantics = [#tpu.dimension_semantics<core_parallel>, #tpu.dimension_semantics<subcore_parallel>], iteration_bounds = array<i64: 1, 16>, scalar_prefetch = 0 : i64, scratch_operands = 13 : i64, tpu.core_type = #tpu.core_type<sc_vector_subcore>, window_params = [{transform_indices = #map}, {transform_indices = #map}, {transform_indices = #map}, {transform_indices = #map}, {transform_indices = #map}, {transform_indices = #map}]} {
    %mul3A = arith.constant 64 : i32
    %mul3A_0 = arith.muli %arg1, %mul3A : i32
    %dma_start3A = tpu.memref_slice %arg5[%mul3A_0] : memref<1024xi32, #tpu.memory_space<hbm>> -> memref<64xi32, #tpu.memory_space<hbm>>
    %dma_start3A_1 = tpu.memref_slice %arg5[%mul3A_0] : memref<1024xi32, #tpu.memory_space<hbm>> -> memref<64xi32, #tpu.memory_space<hbm>>
    tpu.enqueue_dma source(%dma_start3A_1 : memref<64xi32, #tpu.memory_space<hbm>>) target(%arg8 : memref<64xi32, #tpu.memory_space<vmem>>) target_semaphore(%arg19 : memref<!tpu.dma_semaphore, #tpu.memory_space<semaphore_mem>>)
    %dma_start3A_2 = tpu.memref_slice %arg6[%mul3A_0] : memref<1024xi32, #tpu.memory_space<hbm>> -> memref<64xi32, #tpu.memory_space<hbm>>
    %dma_start3A_3 = tpu.memref_slice %arg6[%mul3A_0] : memref<1024xi32, #tpu.memory_space<hbm>> -> memref<64xi32, #tpu.memory_space<hbm>>
    tpu.enqueue_dma source(%dma_start3A_3 : memref<64xi32, #tpu.memory_space<hbm>>) target(%arg9 : memref<64xi32, #tpu.memory_space<vmem>>) target_semaphore(%arg20 : memref<!tpu.dma_semaphore, #tpu.memory_space<semaphore_mem>>)
    %dma_start3A_4 = tpu.memref_slice %arg4[%mul3A_0] : memref<1024xf32, #tpu.memory_space<hbm>> -> memref<64xf32, #tpu.memory_space<hbm>>
    %dma_start3A_5 = tpu.memref_slice %arg4[%mul3A_0] : memref<1024xf32, #tpu.memory_space<hbm>> -> memref<64xf32, #tpu.memory_space<hbm>>
    tpu.enqueue_dma source(%dma_start3A_5 : memref<64xf32, #tpu.memory_space<hbm>>) target(%arg10 : memref<64xf32, #tpu.memory_space<vmem>>) target_semaphore(%arg19 : memref<!tpu.dma_semaphore, #tpu.memory_space<semaphore_mem>>)
    %dma_wait3A = tpu.memref_slice %arg5[%mul3A_0] : memref<1024xi32, #tpu.memory_space<hbm>> -> memref<64xi32, #tpu.memory_space<hbm>>
    %dma_wait3A_6 = tpu.memref_slice %arg5[%mul3A_0] : memref<1024xi32, #tpu.memory_space<hbm>> -> memref<64xi32, #tpu.memory_space<hbm>>
    tpu.wait_dma2 semaphore(%arg19 : memref<!tpu.dma_semaphore, #tpu.memory_space<semaphore_mem>>) src(%dma_wait3A_6 : memref<64xi32, #tpu.memory_space<hbm>>) dst(%arg8 : memref<64xi32, #tpu.memory_space<vmem>>)
    %dma_wait3A_7 = tpu.memref_slice %arg6[%mul3A_0] : memref<1024xi32, #tpu.memory_space<hbm>> -> memref<64xi32, #tpu.memory_space<hbm>>
    %dma_wait3A_8 = tpu.memref_slice %arg6[%mul3A_0] : memref<1024xi32, #tpu.memory_space<hbm>> -> memref<64xi32, #tpu.memory_space<hbm>>
    tpu.wait_dma2 semaphore(%arg20 : memref<!tpu.dma_semaphore, #tpu.memory_space<semaphore_mem>>) src(%dma_wait3A_8 : memref<64xi32, #tpu.memory_space<hbm>>) dst(%arg9 : memref<64xi32, #tpu.memory_space<vmem>>)
    %dma_wait3A_9 = tpu.memref_slice %arg4[%mul3A_0] : memref<1024xf32, #tpu.memory_space<hbm>> -> memref<64xf32, #tpu.memory_space<hbm>>
    %dma_wait3A_10 = tpu.memref_slice %arg4[%mul3A_0] : memref<1024xf32, #tpu.memory_space<hbm>> -> memref<64xf32, #tpu.memory_space<hbm>>
    tpu.wait_dma2 semaphore(%arg19 : memref<!tpu.dma_semaphore, #tpu.memory_space<semaphore_mem>>) src(%dma_wait3A_10 : memref<64xf32, #tpu.memory_space<hbm>>) dst(%arg10 : memref<64xf32, #tpu.memory_space<vmem>>)
    %iota3A = tpu.iota {dimensions = array<i32: 0>} : vector<16xi32>
    %add3A = arith.constant 0 : i32
    %add3A_11 = arith.addi %mul3A_0, %add3A : i32
    %add3A_12 = vector.broadcast %add3A_11 : i32 to vector<16xi32>
    %add3A_13 = arith.addi %add3A_12, %iota3A : vector<16xi32>
    %get3A = arith.constant 0 : index
    %get3A_14 = tpu.vector_load %arg8[%get3A] {strides = array<i32>} : memref<64xi32, #tpu.memory_space<vmem>>, vector<16xi32>,
    %max3A = arith.constant 0 : i32
    %max3A_15 = vector.broadcast %max3A : i32 to vector<16xi32>
    %max3A_16 = arith.maxsi %get3A_14, %max3A_15 : vector<16xi32>
    %min3A = arith.constant 99999 : i32
    %min3A_17 = vector.broadcast %min3A : i32 to vector<16xi32>
    %min3A_18 = arith.minsi %max3A_16, %min3A_17 : vector<16xi32>
    %shift_right_logical3A = arith.constant 7 : i32
    %shift_right_logical3A_19 = vector.broadcast %shift_right_logical3A : i32 to vector<16xi32>
    %shift_right_logical3A_20 = arith.shrui %add3A_13, %shift_right_logical3A_19 : vector<16xi32>
    %mul3A_21 = arith.constant 1024 : i32
    %mul3A_22 = vector.broadcast %mul3A_21 : i32 to vector<16xi32>
    %mul3A_23 = arith.muli %shift_right_logical3A_20, %mul3A_22 : vector<16xi32>
    %and3A = arith.constant 127 : i32
    %and3A_24 = vector.broadcast %and3A : i32 to vector<16xi32>
    %and3A_25 = arith.andi %add3A_13, %and3A_24 : vector<16xi32>
    %add3A_26 = arith.addi %mul3A_23, %and3A_25 : vector<16xi32>
    %shift_right_logical3A_27 = arith.constant 3 : i32
    %shift_right_logical3A_28 = vector.broadcast %shift_right_logical3A_27 : i32 to vector<16xi32>
    %shift_right_logical3A_29 = arith.shrui %min3A_18, %shift_right_logical3A_28 : vector<16xi32>
    %mul3A_30 = arith.constant 8192 : i32
    %mul3A_31 = vector.broadcast %mul3A_30 : i32 to vector<16xi32>
    %mul3A_32 = arith.muli %shift_right_logical3A_29, %mul3A_31 : vector<16xi32>
    %and3A_33 = arith.constant 7 : i32
    %and3A_34 = vector.broadcast %and3A_33 : i32 to vector<16xi32>
    %and3A_35 = arith.andi %min3A_18, %and3A_34 : vector<16xi32>
    %mul3A_36 = arith.constant 128 : i32
    %mul3A_37 = vector.broadcast %mul3A_36 : i32 to vector<16xi32>
    %mul3A_38 = arith.muli %and3A_35, %mul3A_37 : vector<16xi32>
    %add3A_39 = arith.addi %mul3A_32, %mul3A_38 : vector<16xi32>
    %add3A_40 = arith.addi %add3A_39, %add3A_26 : vector<16xi32>
    %swap3A = arith.constant 0 : index
    %swap3A_41 = tpu.vector_load %arg11[%swap3A] {strides = array<i32>} : memref<64xi32, #tpu.memory_space<vmem>>, vector<16xi32>,
    tpu.vector_store %arg11[%swap3A], %add3A_40 {strides = array<i32>} : memref<64xi32, #tpu.memory_space<vmem>>, vector<16xi32>,
    %add3A_42 = arith.constant 16 : i32
    %add3A_43 = arith.addi %mul3A_0, %add3A_42 : i32
    %add3A_44 = vector.broadcast %add3A_43 : i32 to vector<16xi32>
    %add3A_45 = arith.addi %add3A_44, %iota3A : vector<16xi32>
    %get3A_46 = arith.constant 16 : index
    %get3A_47 = tpu.vector_load %arg8[%get3A_46] {strides = array<i32>} : memref<64xi32, #tpu.memory_space<vmem>>, vector<16xi32>,
    %max3A_48 = arith.constant 0 : i32
    %max3A_49 = vector.broadcast %max3A_48 : i32 to vector<16xi32>
    %max3A_50 = arith.maxsi %get3A_47, %max3A_49 : vector<16xi32>
    %min3A_51 = arith.constant 99999 : i32
    %min3A_52 = vector.broadcast %min3A_51 : i32 to vector<16xi32>
    %min3A_53 = arith.minsi %max3A_50, %min3A_52 : vector<16xi32>
    %shift_right_logical3A_54 = arith.constant 7 : i32
    %shift_right_logical3A_55 = vector.broadcast %shift_right_logical3A_54 : i32 to vector<16xi32>
    %shift_right_logical3A_56 = arith.shrui %add3A_45, %shift_right_logical3A_55 : vector<16xi32>
    %mul3A_57 = arith.constant 1024 : i32
    %mul3A_58 = vector.broadcast %mul3A_57 : i32 to vector<16xi32>
    %mul3A_59 = arith.muli %shift_right_logical3A_56, %mul3A_58 : vector<16xi32>
    %and3A_60 = arith.constant 127 : i32
    %and3A_61 = vector.broadcast %and3A_60 : i32 to vector<16xi32>
    %and3A_62 = arith.andi %add3A_45, %and3A_61 : vector<16xi32>
    %add3A_63 = arith.addi %mul3A_59, %and3A_62 : vector<16xi32>
    %shift_right_logical3A_64 = arith.constant 3 : i32
    %shift_right_logical3A_65 = vector.broadcast %shift_right_logical3A_64 : i32 to vector<16xi32>
    %shift_right_logical3A_66 = arith.shrui %min3A_53, %shift_right_logical3A_65 : vector<16xi32>
    %mul3A_67 = arith.constant 8192 : i32
    %mul3A_68 = vector.broadcast %mul3A_67 : i32 to vector<16xi32>
    %mul3A_69 = arith.muli %shift_right_logical3A_66, %mul3A_68 : vector<16xi32>
    %and3A_70 = arith.constant 7 : i32
    %and3A_71 = vector.broadcast %and3A_70 : i32 to vector<16xi32>
    %and3A_72 = arith.andi %min3A_53, %and3A_71 : vector<16xi32>
    %mul3A_73 = arith.constant 128 : i32
    %mul3A_74 = vector.broadcast %mul3A_73 : i32 to vector<16xi32>
    %mul3A_75 = arith.muli %and3A_72, %mul3A_74 : vector<16xi32>
    %add3A_76 = arith.addi %mul3A_69, %mul3A_75 : vector<16xi32>
    %add3A_77 = arith.addi %add3A_76, %add3A_63 : vector<16xi32>
    %swap3A_78 = arith.constant 16 : index
    %swap3A_79 = tpu.vector_load %arg11[%swap3A_78] {strides = array<i32>} : memref<64xi32, #tpu.memory_space<vmem>>, vector<16xi32>,
    tpu.vector_store %arg11[%swap3A_78], %add3A_77 {strides = array<i32>} : memref<64xi32, #tpu.memory_space<vmem>>, vector<16xi32>,
    %add3A_80 = arith.constant 32 : i32
    %add3A_81 = arith.addi %mul3A_0, %add3A_80 : i32
    %add3A_82 = vector.broadcast %add3A_81 : i32 to vector<16xi32>
    %add3A_83 = arith.addi %add3A_82, %iota3A : vector<16xi32>
    %get3A_84 = arith.constant 32 : index
    %get3A_85 = tpu.vector_load %arg8[%get3A_84] {strides = array<i32>} : memref<64xi32, #tpu.memory_space<vmem>>, vector<16xi32>,
    %max3A_86 = arith.constant 0 : i32
    %max3A_87 = vector.broadcast %max3A_86 : i32 to vector<16xi32>
    %max3A_88 = arith.maxsi %get3A_85, %max3A_87 : vector<16xi32>
    %min3A_89 = arith.constant 99999 : i32
    %min3A_90 = vector.broadcast %min3A_89 : i32 to vector<16xi32>
    %min3A_91 = arith.minsi %max3A_88, %min3A_90 : vector<16xi32>
    %shift_right_logical3A_92 = arith.constant 7 : i32
    %shift_right_logical3A_93 = vector.broadcast %shift_right_logical3A_92 : i32 to vector<16xi32>
    %shift_right_logical3A_94 = arith.shrui %add3A_83, %shift_right_logical3A_93 : vector<16xi32>
    %mul3A_95 = arith.constant 1024 : i32
    %mul3A_96 = vector.broadcast %mul3A_95 : i32 to vector<16xi32>
    %mul3A_97 = arith.muli %shift_right_logical3A_94, %mul3A_96 : vector<16xi32>
    %and3A_98 = arith.constant 127 : i32
    %and3A_99 = vector.broadcast %and3A_98 : i32 to vector<16xi32>
    %and3A_100 = arith.andi %add3A_83, %and3A_99 : vector<16xi32>
    %add3A_101 = arith.addi %mul3A_97, %and3A_100 : vector<16xi32>
    %shift_right_logical3A_102 = arith.constant 3 : i32
    %shift_right_logical3A_103 = vector.broadcast %shift_right_logical3A_102 : i32 to vector<16xi32>
    %shift_right_logical3A_104 = arith.shrui %min3A_91, %shift_right_logical3A_103 : vector<16xi32>
    %mul3A_105 = arith.constant 8192 : i32
    %mul3A_106 = vector.broadcast %mul3A_105 : i32 to vector<16xi32>
    %mul3A_107 = arith.muli %shift_right_logical3A_104, %mul3A_106 : vector<16xi32>
    %and3A_108 = arith.constant 7 : i32
    %and3A_109 = vector.broadcast %and3A_108 : i32 to vector<16xi32>
    %and3A_110 = arith.andi %min3A_91, %and3A_109 : vector<16xi32>
    %mul3A_111 = arith.constant 128 : i32
    %mul3A_112 = vector.broadcast %mul3A_111 : i32 to vector<16xi32>
    %mul3A_113 = arith.muli %and3A_110, %mul3A_112 : vector<16xi32>
    %add3A_114 = arith.addi %mul3A_107, %mul3A_113 : vector<16xi32>
    %add3A_115 = arith.addi %add3A_114, %add3A_101 : vector<16xi32>
    %swap3A_116 = arith.constant 32 : index
    %swap3A_117 = tpu.vector_load %arg11[%swap3A_116] {strides = array<i32>} : memref<64xi32, #tpu.memory_space<vmem>>, vector<16xi32>,
    tpu.vector_store %arg11[%swap3A_116], %add3A_115 {strides = array<i32>} : memref<64xi32, #tpu.memory_space<vmem>>, vector<16xi32>,
    %add3A_118 = arith.constant 48 : i32
    %add3A_119 = arith.addi %mul3A_0, %add3A_118 : i32
    %add3A_120 = vector.broadcast %add3A_119 : i32 to vector<16xi32>
    %add3A_121 = arith.addi %add3A_120, %iota3A : vector<16xi32>
    %get3A_122 = arith.constant 48 : index
    %get3A_123 = tpu.vector_load %arg8[%get3A_122] {strides = array<i32>} : memref<64xi32, #tpu.memory_space<vmem>>, vector<16xi32>,
    %max3A_124 = arith.constant 0 : i32
    %max3A_125 = vector.broadcast %max3A_124 : i32 to vector<16xi32>
    %max3A_126 = arith.maxsi %get3A_123, %max3A_125 : vector<16xi32>
    %min3A_127 = arith.constant 99999 : i32
    %min3A_128 = vector.broadcast %min3A_127 : i32 to vector<16xi32>
    %min3A_129 = arith.minsi %max3A_126, %min3A_128 : vector<16xi32>
    %shift_right_logical3A_130 = arith.constant 7 : i32
    %shift_right_logical3A_131 = vector.broadcast %shift_right_logical3A_130 : i32 to vector<16xi32>
    %shift_right_logical3A_132 = arith.shrui %add3A_121, %shift_right_logical3A_131 : vector<16xi32>
    %mul3A_133 = arith.constant 1024 : i32
    %mul3A_134 = vector.broadcast %mul3A_133 : i32 to vector<16xi32>
    %mul3A_135 = arith.muli %shift_right_logical3A_132, %mul3A_134 : vector<16xi32>
    %and3A_136 = arith.constant 127 : i32
    %and3A_137 = vector.broadcast %and3A_136 : i32 to vector<16xi32>
    %and3A_138 = arith.andi %add3A_121, %and3A_137 : vector<16xi32>
    %add3A_139 = arith.addi %mul3A_135, %and3A_138 : vector<16xi32>
    %shift_right_logical3A_140 = arith.constant 3 : i32
    %shift_right_logical3A_141 = vector.broadcast %shift_right_logical3A_140 : i32 to vector<16xi32>
    %shift_right_logical3A_142 = arith.shrui %min3A_129, %shift_right_logical3A_141 : vector<16xi32>
    %mul3A_143 = arith.constant 8192 : i32
    %mul3A_144 = vector.broadcast %mul3A_143 : i32 to vector<16xi32>
    %mul3A_145 = arith.muli %shift_right_logical3A_142, %mul3A_144 : vector<16xi32>
    %and3A_146 = arith.constant 7 : i32
    %and3A_147 = vector.broadcast %and3A_146 : i32 to vector<16xi32>
    %and3A_148 = arith.andi %min3A_129, %and3A_147 : vector<16xi32>
    %mul3A_149 = arith.constant 128 : i32
    %mul3A_150 = vector.broadcast %mul3A_149 : i32 to vector<16xi32>
    %mul3A_151 = arith.muli %and3A_148, %mul3A_150 : vector<16xi32>
    %add3A_152 = arith.addi %mul3A_145, %mul3A_151 : vector<16xi32>
    %add3A_153 = arith.addi %add3A_152, %add3A_139 : vector<16xi32>
    %swap3A_154 = arith.constant 48 : index
    %swap3A_155 = tpu.vector_load %arg11[%swap3A_154] {strides = array<i32>} : memref<64xi32, #tpu.memory_space<vmem>>, vector<16xi32>,
    tpu.vector_store %arg11[%swap3A_154], %add3A_153 {strides = array<i32>} : memref<64xi32, #tpu.memory_space<vmem>>, vector<16xi32>,
    %dma_start3A_156 = arith.constant 0 : i32
    %dma_start3A_157 = tpu.memref_slice %arg2[%dma_start3A_156] : memref<102400000xf32, #tpu.memory_space<hbm>> -> memref<102400000xf32, #tpu.memory_space<hbm>>
    tpu.enqueue_indirect_dma source(%dma_start3A_157 : memref<102400000xf32, #tpu.memory_space<hbm>>) target(%arg13 : memref<64xf32, #tpu.memory_space<vmem>>) offsets(%arg11 : memref<64xi32, #tpu.memory_space<vmem>>) semaphore(%arg19 : memref<!tpu.dma_semaphore, #tpu.memory_space<semaphore_mem>>)
    %add3A_158 = arith.constant 0 : i32
    %add3A_159 = arith.addi %mul3A_0, %add3A_158 : i32
    %add3A_160 = vector.broadcast %add3A_159 : i32 to vector<16xi32>
    %add3A_161 = arith.addi %add3A_160, %iota3A : vector<16xi32>
    %get3A_162 = arith.constant 0 : index
    %get3A_163 = tpu.vector_load %arg9[%get3A_162] {strides = array<i32>} : memref<64xi32, #tpu.memory_space<vmem>>, vector<16xi32>,
    %max3A_164 = arith.constant 0 : i32
    %max3A_165 = vector.broadcast %max3A_164 : i32 to vector<16xi32>
    %max3A_166 = arith.maxsi %get3A_163, %max3A_165 : vector<16xi32>
    %min3A_167 = arith.constant 199 : i32
    %min3A_168 = vector.broadcast %min3A_167 : i32 to vector<16xi32>
    %min3A_169 = arith.minsi %max3A_166, %min3A_168 : vector<16xi32>
    %shift_right_logical3A_170 = arith.constant 7 : i32
    %shift_right_logical3A_171 = vector.broadcast %shift_right_logical3A_170 : i32 to vector<16xi32>
    %shift_right_logical3A_172 = arith.shrui %add3A_161, %shift_right_logical3A_171 : vector<16xi32>
    %mul3A_173 = arith.constant 1024 : i32
    %mul3A_174 = vector.broadcast %mul3A_173 : i32 to vector<16xi32>
    %mul3A_175 = arith.muli %shift_right_logical3A_172, %mul3A_174 : vector<16xi32>
    %and3A_176 = arith.constant 127 : i32
    %and3A_177 = vector.broadcast %and3A_176 : i32 to vector<16xi32>
    %and3A_178 = arith.andi %add3A_161, %and3A_177 : vector<16xi32>
    %add3A_179 = arith.addi %mul3A_175, %and3A_178 : vector<16xi32>
    %shift_right_logical3A_180 = arith.constant 3 : i32
    %shift_right_logical3A_181 = vector.broadcast %shift_right_logical3A_180 : i32 to vector<16xi32>
    %shift_right_logical3A_182 = arith.shrui %min3A_169, %shift_right_logical3A_181 : vector<16xi32>
    %mul3A_183 = arith.constant 8192 : i32
    %mul3A_184 = vector.broadcast %mul3A_183 : i32 to vector<16xi32>
    %mul3A_185 = arith.muli %shift_right_logical3A_182, %mul3A_184 : vector<16xi32>
    %and3A_186 = arith.constant 7 : i32
    %and3A_187 = vector.broadcast %and3A_186 : i32 to vector<16xi32>
    %and3A_188 = arith.andi %min3A_169, %and3A_187 : vector<16xi32>
    %mul3A_189 = arith.constant 128 : i32
    %mul3A_190 = vector.broadcast %mul3A_189 : i32 to vector<16xi32>
    %mul3A_191 = arith.muli %and3A_188, %mul3A_190 : vector<16xi32>
    %add3A_192 = arith.addi %mul3A_185, %mul3A_191 : vector<16xi32>
    %add3A_193 = arith.addi %add3A_192, %add3A_179 : vector<16xi32>
    %swap3A_194 = arith.constant 0 : index
    %swap3A_195 = tpu.vector_load %arg12[%swap3A_194] {strides = array<i32>} : memref<64xi32, #tpu.memory_space<vmem>>, vector<16xi32>,
    tpu.vector_store %arg12[%swap3A_194], %add3A_193 {strides = array<i32>} : memref<64xi32, #tpu.memory_space<vmem>>, vector<16xi32>,
    %add3A_196 = arith.constant 16 : i32
    %add3A_197 = arith.addi %mul3A_0, %add3A_196 : i32
    %add3A_198 = vector.broadcast %add3A_197 : i32 to vector<16xi32>
    %add3A_199 = arith.addi %add3A_198, %iota3A : vector<16xi32>
    %get3A_200 = arith.constant 16 : index
    %get3A_201 = tpu.vector_load %arg9[%get3A_200] {strides = array<i32>} : memref<64xi32, #tpu.memory_space<vmem>>, vector<16xi32>,
    %max3A_202 = arith.constant 0 : i32
    %max3A_203 = vector.broadcast %max3A_202 : i32 to vector<16xi32>
    %max3A_204 = arith.maxsi %get3A_201, %max3A_203 : vector<16xi32>
    %min3A_205 = arith.constant 199 : i32
    %min3A_206 = vector.broadcast %min3A_205 : i32 to vector<16xi32>
    %min3A_207 = arith.minsi %max3A_204, %min3A_206 : vector<16xi32>
    %shift_right_logical3A_208 = arith.constant 7 : i32
    %shift_right_logical3A_209 = vector.broadcast %shift_right_logical3A_208 : i32 to vector<16xi32>
    %shift_right_logical3A_210 = arith.shrui %add3A_199, %shift_right_logical3A_209 : vector<16xi32>
    %mul3A_211 = arith.constant 1024 : i32
    %mul3A_212 = vector.broadcast %mul3A_211 : i32 to vector<16xi32>
    %mul3A_213 = arith.muli %shift_right_logical3A_210, %mul3A_212 : vector<16xi32>
    %and3A_214 = arith.constant 127 : i32
    %and3A_215 = vector.broadcast %and3A_214 : i32 to vector<16xi32>
    %and3A_216 = arith.andi %add3A_199, %and3A_215 : vector<16xi32>
    %add3A_217 = arith.addi %mul3A_213, %and3A_216 : vector<16xi32>
    %shift_right_logical3A_218 = arith.constant 3 : i32
    %shift_right_logical3A_219 = vector.broadcast %shift_right_logical3A_218 : i32 to vector<16xi32>
    %shift_right_logical3A_220 = arith.shrui %min3A_207, %shift_right_logical3A_219 : vector<16xi32>
    %mul3A_221 = arith.constant 8192 : i32
    %mul3A_222 = vector.broadcast %mul3A_221 : i32 to vector<16xi32>
    %mul3A_223 = arith.muli %shift_right_logical3A_220, %mul3A_222 : vector<16xi32>
    %and3A_224 = arith.constant 7 : i32
    %and3A_225 = vector.broadcast %and3A_224 : i32 to vector<16xi32>
    %and3A_226 = arith.andi %min3A_207, %and3A_225 : vector<16xi32>
    %mul3A_227 = arith.constant 128 : i32
    %mul3A_228 = vector.broadcast %mul3A_227 : i32 to vector<16xi32>
    %mul3A_229 = arith.muli %and3A_226, %mul3A_228 : vector<16xi32>
    %add3A_230 = arith.addi %mul3A_223, %mul3A_229 : vector<16xi32>
    %add3A_231 = arith.addi %add3A_230, %add3A_217 : vector<16xi32>
    %swap3A_232 = arith.constant 16 : index
    %swap3A_233 = tpu.vector_load %arg12[%swap3A_232] {strides = array<i32>} : memref<64xi32, #tpu.memory_space<vmem>>, vector<16xi32>,
    tpu.vector_store %arg12[%swap3A_232], %add3A_231 {strides = array<i32>} : memref<64xi32, #tpu.memory_space<vmem>>, vector<16xi32>,
    %add3A_234 = arith.constant 32 : i32
    %add3A_235 = arith.addi %mul3A_0, %add3A_234 : i32
    %add3A_236 = vector.broadcast %add3A_235 : i32 to vector<16xi32>
    %add3A_237 = arith.addi %add3A_236, %iota3A : vector<16xi32>
    %get3A_238 = arith.constant 32 : index
    %get3A_239 = tpu.vector_load %arg9[%get3A_238] {strides = array<i32>} : memref<64xi32, #tpu.memory_space<vmem>>, vector<16xi32>,
    %max3A_240 = arith.constant 0 : i32
    %max3A_241 = vector.broadcast %max3A_240 : i32 to vector<16xi32>
    %max3A_242 = arith.maxsi %get3A_239, %max3A_241 : vector<16xi32>
    %min3A_243 = arith.constant 199 : i32
    %min3A_244 = vector.broadcast %min3A_243 : i32 to vector<16xi32>
    %min3A_245 = arith.minsi %max3A_242, %min3A_244 : vector<16xi32>
    %shift_right_logical3A_246 = arith.constant 7 : i32
    %shift_right_logical3A_247 = vector.broadcast %shift_right_logical3A_246 : i32 to vector<16xi32>
    %shift_right_logical3A_248 = arith.shrui %add3A_237, %shift_right_logical3A_247 : vector<16xi32>
    %mul3A_249 = arith.constant 1024 : i32
    %mul3A_250 = vector.broadcast %mul3A_249 : i32 to vector<16xi32>
    %mul3A_251 = arith.muli %shift_right_logical3A_248, %mul3A_250 : vector<16xi32>
    %and3A_252 = arith.constant 127 : i32
    %and3A_253 = vector.broadcast %and3A_252 : i32 to vector<16xi32>
    %and3A_254 = arith.andi %add3A_237, %and3A_253 : vector<16xi32>
    %add3A_255 = arith.addi %mul3A_251, %and3A_254 : vector<16xi32>
    %shift_right_logical3A_256 = arith.constant 3 : i32
    %shift_right_logical3A_257 = vector.broadcast %shift_right_logical3A_256 : i32 to vector<16xi32>
    %shift_right_logical3A_258 = arith.shrui %min3A_245, %shift_right_logical3A_257 : vector<16xi32>
    %mul3A_259 = arith.constant 8192 : i32
    %mul3A_260 = vector.broadcast %mul3A_259 : i32 to vector<16xi32>
    %mul3A_261 = arith.muli %shift_right_logical3A_258, %mul3A_260 : vector<16xi32>
    %and3A_262 = arith.constant 7 : i32
    %and3A_263 = vector.broadcast %and3A_262 : i32 to vector<16xi32>
    %and3A_264 = arith.andi %min3A_245, %and3A_263 : vector<16xi32>
    %mul3A_265 = arith.constant 128 : i32
    %mul3A_266 = vector.broadcast %mul3A_265 : i32 to vector<16xi32>
    %mul3A_267 = arith.muli %and3A_264, %mul3A_266 : vector<16xi32>
    %add3A_268 = arith.addi %mul3A_261, %mul3A_267 : vector<16xi32>
    %add3A_269 = arith.addi %add3A_268, %add3A_255 : vector<16xi32>
    %swap3A_270 = arith.constant 32 : index
    %swap3A_271 = tpu.vector_load %arg12[%swap3A_270] {strides = array<i32>} : memref<64xi32, #tpu.memory_space<vmem>>, vector<16xi32>,
    tpu.vector_store %arg12[%swap3A_270], %add3A_269 {strides = array<i32>} : memref<64xi32, #tpu.memory_space<vmem>>, vector<16xi32>,
    %add3A_272 = arith.constant 48 : i32
    %add3A_273 = arith.addi %mul3A_0, %add3A_272 : i32
    %add3A_274 = vector.broadcast %add3A_273 : i32 to vector<16xi32>
    %add3A_275 = arith.addi %add3A_274, %iota3A : vector<16xi32>
    %get3A_276 = arith.constant 48 : index
    %get3A_277 = tpu.vector_load %arg9[%get3A_276] {strides = array<i32>} : memref<64xi32, #tpu.memory_space<vmem>>, vector<16xi32>,
    %max3A_278 = arith.constant 0 : i32
    %max3A_279 = vector.broadcast %max3A_278 : i32 to vector<16xi32>
    %max3A_280 = arith.maxsi %get3A_277, %max3A_279 : vector<16xi32>
    %min3A_281 = arith.constant 199 : i32
    %min3A_282 = vector.broadcast %min3A_281 : i32 to vector<16xi32>
    %min3A_283 = arith.minsi %max3A_280, %min3A_282 : vector<16xi32>
    %shift_right_logical3A_284 = arith.constant 7 : i32
    %shift_right_logical3A_285 = vector.broadcast %shift_right_logical3A_284 : i32 to vector<16xi32>
    %shift_right_logical3A_286 = arith.shrui %add3A_275, %shift_right_logical3A_285 : vector<16xi32>
    %mul3A_287 = arith.constant 1024 : i32
    %mul3A_288 = vector.broadcast %mul3A_287 : i32 to vector<16xi32>
    %mul3A_289 = arith.muli %shift_right_logical3A_286, %mul3A_288 : vector<16xi32>
    %and3A_290 = arith.constant 127 : i32
    %and3A_291 = vector.broadcast %and3A_290 : i32 to vector<16xi32>
    %and3A_292 = arith.andi %add3A_275, %and3A_291 : vector<16xi32>
    %add3A_293 = arith.addi %mul3A_289, %and3A_292 : vector<16xi32>
    %shift_right_logical3A_294 = arith.constant 3 : i32
    %shift_right_logical3A_295 = vector.broadcast %shift_right_logical3A_294 : i32 to vector<16xi32>
    %shift_right_logical3A_296 = arith.shrui %min3A_283, %shift_right_logical3A_295 : vector<16xi32>
    %mul3A_297 = arith.constant 8192 : i32
    %mul3A_298 = vector.broadcast %mul3A_297 : i32 to vector<16xi32>
    %mul3A_299 = arith.muli %shift_right_logical3A_296, %mul3A_298 : vector<16xi32>
    %and3A_300 = arith.constant 7 : i32
    %and3A_301 = vector.broadcast %and3A_300 : i32 to vector<16xi32>
    %and3A_302 = arith.andi %min3A_283, %and3A_301 : vector<16xi32>
    %mul3A_303 = arith.constant 128 : i32
    %mul3A_304 = vector.broadcast %mul3A_303 : i32 to vector<16xi32>
    %mul3A_305 = arith.muli %and3A_302, %mul3A_304 : vector<16xi32>
    %add3A_306 = arith.addi %mul3A_299, %mul3A_305 : vector<16xi32>
    %add3A_307 = arith.addi %add3A_306, %add3A_293 : vector<16xi32>
    %swap3A_308 = arith.constant 48 : index
    %swap3A_309 = tpu.vector_load %arg12[%swap3A_308] {strides = array<i32>} : memref<64xi32, #tpu.memory_space<vmem>>, vector<16xi32>,
    tpu.vector_store %arg12[%swap3A_308], %add3A_307 {strides = array<i32>} : memref<64xi32, #tpu.memory_space<vmem>>, vector<16xi32>,
    %dma_start3A_310 = arith.constant 0 : i32
    %dma_start3A_311 = tpu.memref_slice %arg3[%dma_start3A_310] : memref<204800xf32, #tpu.memory_space<hbm>> -> memref<204800xf32, #tpu.memory_space<hbm>>
    tpu.enqueue_indirect_dma source(%dma_start3A_311 : memref<204800xf32, #tpu.memory_space<hbm>>) target(%arg14 : memref<64xf32, #tpu.memory_space<vmem>>) offsets(%arg12 : memref<64xi32, #tpu.memory_space<vmem>>) semaphore(%arg20 : memref<!tpu.dma_semaphore, #tpu.memory_space<semaphore_mem>>)
    %dma_wait3A_312 = arith.constant 0 : i32
    %dma_wait3A_313 = tpu.memref_slice %arg2[%dma_wait3A_312] : memref<102400000xf32, #tpu.memory_space<hbm>> -> memref<102400000xf32, #tpu.memory_space<hbm>>
    tpu.wait_indirect_dma semaphore(%arg19 : memref<!tpu.dma_semaphore, #tpu.memory_space<semaphore_mem>>) src(%dma_wait3A_313 : memref<102400000xf32, #tpu.memory_space<hbm>>) dst(%arg13 : memref<64xf32, #tpu.memory_space<vmem>>)
    %dma_wait3A_314 = arith.constant 0 : i32
    %dma_wait3A_315 = tpu.memref_slice %arg3[%dma_wait3A_314] : memref<204800xf32, #tpu.memory_space<hbm>> -> memref<204800xf32, #tpu.memory_space<hbm>>
    tpu.wait_indirect_dma semaphore(%arg20 : memref<!tpu.dma_semaphore, #tpu.memory_space<semaphore_mem>>) src(%dma_wait3A_315 : memref<204800xf32, #tpu.memory_space<hbm>>) dst(%arg14 : memref<64xf32, #tpu.memory_space<vmem>>)
    %convert_element_type3A = arith.sitofp %iota3A : vector<16xi32> to vector<16xf32>
    %mul3A_316 = arith.constant 0.000000e+00 : f32
    %mul3A_317 = vector.broadcast %mul3A_316 : f32 to vector<16xf32>
    %mul3A_318 = arith.mulf %convert_element_type3A, %mul3A_317 : vector<16xf32>
    %get3A_319 = arith.constant 0 : index
    %get3A_320 = tpu.vector_load %arg8[%get3A_319] {strides = array<i32>} : memref<64xi32, #tpu.memory_space<vmem>>, vector<16xi32>,
    %lt3A = arith.constant 100000 : i32
    %lt3A_321 = vector.broadcast %lt3A : i32 to vector<16xi32>
    %lt3A_322 = arith.cmpi slt, %get3A_320, %lt3A_321 : vector<16xi32>
    %get3A_323 = arith.constant 0 : index
    %get3A_324 = tpu.vector_load %arg10[%get3A_323] {strides = array<i32>} : memref<64xf32, #tpu.memory_space<vmem>>, vector<16xf32>,
    %get3A_325 = arith.constant 0 : index
    %get3A_326 = tpu.vector_load %arg13[%get3A_325] {strides = array<i32>} : memref<64xf32, #tpu.memory_space<vmem>>, vector<16xf32>,
    %mul3A_327 = arith.mulf %get3A_324, %get3A_326 : vector<16xf32>
    %add3A_328 = arith.constant 9.99999996E-13 : f32
    %add3A_329 = vector.broadcast %add3A_328 : f32 to vector<16xf32>
    %add3A_330 = arith.addf %mul3A_327, %add3A_329 : vector<16xf32>
    %sub3A = arith.constant 1.000000e+00 : f32
    %sub3A_331 = vector.broadcast %sub3A : f32 to vector<16xf32>
    %sub3A_332 = arith.subf %sub3A_331, %get3A_324 : vector<16xf32>
    %get3A_333 = arith.constant 0 : index
    %get3A_334 = tpu.vector_load %arg14[%get3A_333] {strides = array<i32>} : memref<64xf32, #tpu.memory_space<vmem>>, vector<16xf32>,
    %mul3A_335 = arith.mulf %sub3A_332, %get3A_334 : vector<16xf32>
    %add3A_336 = arith.constant 9.99999996E-13 : f32
    %add3A_337 = vector.broadcast %add3A_336 : f32 to vector<16xf32>
    %add3A_338 = arith.addf %mul3A_335, %add3A_337 : vector<16xf32>
    %select_n3A = arith.select %lt3A_322, %add3A_330, %add3A_338 : vector<16xi1>, vector<16xf32>
    %bitcast3A = vector.bitcast %select_n3A : vector<16xf32> to vector<16xi32>
    %shift_right_arithmetic3A = arith.constant 23 : i32
    %shift_right_arithmetic3A_339 = vector.broadcast %shift_right_arithmetic3A : i32 to vector<16xi32>
    %shift_right_arithmetic3A_340 = arith.shrsi %bitcast3A, %shift_right_arithmetic3A_339 : vector<16xi32>
    %sub3A_341 = arith.constant 127 : i32
    %sub3A_342 = vector.broadcast %sub3A_341 : i32 to vector<16xi32>
    %sub3A_343 = arith.subi %shift_right_arithmetic3A_340, %sub3A_342 : vector<16xi32>
    %and3A_344 = arith.constant 8388607 : i32
    %and3A_345 = vector.broadcast %and3A_344 : i32 to vector<16xi32>
    %and3A_346 = arith.andi %bitcast3A, %and3A_345 : vector<16xi32>
    %or3A = arith.constant 1065353216 : i32
    %or3A_347 = vector.broadcast %or3A : i32 to vector<16xi32>
    %or3A_348 = arith.ori %and3A_346, %or3A_347 : vector<16xi32>
    %bitcast3A_349 = vector.bitcast %or3A_348 : vector<16xi32> to vector<16xf32>
    %gt3A = arith.constant 1.41421354 : f32
    %gt3A_350 = vector.broadcast %gt3A : f32 to vector<16xf32>
    %gt3A_351 = arith.cmpf ogt, %bitcast3A_349, %gt3A_350 : vector<16xf32>
    %mul3A_352 = arith.constant 5.000000e-01 : f32
    %mul3A_353 = vector.broadcast %mul3A_352 : f32 to vector<16xf32>
    %mul3A_354 = arith.mulf %bitcast3A_349, %mul3A_353 : vector<16xf32>
    %select_n3A_355 = arith.select %gt3A_351, %mul3A_354, %bitcast3A_349 : vector<16xi1>, vector<16xf32>
    %convert_element_type3A_356 = arith.extui %gt3A_351 : vector<16xi1> to vector<16xi32>
    %add3A_357 = arith.addi %sub3A_343, %convert_element_type3A_356 : vector<16xi32>
    %convert_element_type3A_358 = arith.sitofp %add3A_357 : vector<16xi32> to vector<16xf32>
    %sub3A_359 = arith.constant 1.000000e+00 : f32
    %sub3A_360 = vector.broadcast %sub3A_359 : f32 to vector<16xf32>
    %sub3A_361 = arith.subf %select_n3A_355, %sub3A_360 : vector<16xf32>
    %add3A_362 = arith.constant 1.000000e+00 : f32
    %add3A_363 = vector.broadcast %add3A_362 : f32 to vector<16xf32>
    %add3A_364 = arith.addf %select_n3A_355, %add3A_363 : vector<16xf32>
    %div3A = arith.divf %sub3A_361, %add3A_364 : vector<16xf32>
    %mul3A_365 = arith.mulf %div3A, %div3A : vector<16xf32>
    %mul3A_366 = arith.constant 0.111111112 : f32
    %mul3A_367 = vector.broadcast %mul3A_366 : f32 to vector<16xf32>
    %mul3A_368 = arith.mulf %mul3A_367, %mul3A_365 : vector<16xf32>
    %add3A_369 = arith.constant 0.142857149 : f32
    %add3A_370 = vector.broadcast %add3A_369 : f32 to vector<16xf32>
    %add3A_371 = arith.addf %mul3A_368, %add3A_370 : vector<16xf32>
    %mul3A_372 = arith.mulf %add3A_371, %mul3A_365 : vector<16xf32>
    %add3A_373 = arith.constant 2.000000e-01 : f32
    %add3A_374 = vector.broadcast %add3A_373 : f32 to vector<16xf32>
    %add3A_375 = arith.addf %mul3A_372, %add3A_374 : vector<16xf32>
    %mul3A_376 = arith.mulf %add3A_375, %mul3A_365 : vector<16xf32>
    %add3A_377 = arith.constant 0.333333343 : f32
    %add3A_378 = vector.broadcast %add3A_377 : f32 to vector<16xf32>
    %add3A_379 = arith.addf %mul3A_376, %add3A_378 : vector<16xf32>
    %mul3A_380 = arith.mulf %add3A_379, %mul3A_365 : vector<16xf32>
    %add3A_381 = arith.constant 1.000000e+00 : f32
    %add3A_382 = vector.broadcast %add3A_381 : f32 to vector<16xf32>
    %add3A_383 = arith.addf %mul3A_380, %add3A_382 : vector<16xf32>
    %mul3A_384 = arith.constant 0.693147182 : f32
    %mul3A_385 = vector.broadcast %mul3A_384 : f32 to vector<16xf32>
    %mul3A_386 = arith.mulf %convert_element_type3A_358, %mul3A_385 : vector<16xf32>
    %add3A_387 = arith.addf %mul3A_318, %mul3A_386 : vector<16xf32>
    %mul3A_388 = arith.constant 2.000000e+00 : f32
    %mul3A_389 = vector.broadcast %mul3A_388 : f32 to vector<16xf32>
    %mul3A_390 = arith.mulf %mul3A_389, %div3A : vector<16xf32>
    %mul3A_391 = arith.mulf %mul3A_390, %add3A_383 : vector<16xf32>
    %add3A_392 = arith.addf %add3A_387, %mul3A_391 : vector<16xf32>
    %get3A_393 = arith.constant 16 : index
    %get3A_394 = tpu.vector_load %arg8[%get3A_393] {strides = array<i32>} : memref<64xi32, #tpu.memory_space<vmem>>, vector<16xi32>,
    %lt3A_395 = arith.constant 100000 : i32
    %lt3A_396 = vector.broadcast %lt3A_395 : i32 to vector<16xi32>
    %lt3A_397 = arith.cmpi slt, %get3A_394, %lt3A_396 : vector<16xi32>
    %get3A_398 = arith.constant 16 : index
    %get3A_399 = tpu.vector_load %arg10[%get3A_398] {strides = array<i32>} : memref<64xf32, #tpu.memory_space<vmem>>, vector<16xf32>,
    %get3A_400 = arith.constant 16 : index
    %get3A_401 = tpu.vector_load %arg13[%get3A_400] {strides = array<i32>} : memref<64xf32, #tpu.memory_space<vmem>>, vector<16xf32>,
    %mul3A_402 = arith.mulf %get3A_399, %get3A_401 : vector<16xf32>
    %add3A_403 = arith.constant 9.99999996E-13 : f32
    %add3A_404 = vector.broadcast %add3A_403 : f32 to vector<16xf32>
    %add3A_405 = arith.addf %mul3A_402, %add3A_404 : vector<16xf32>
    %sub3A_406 = arith.constant 1.000000e+00 : f32
    %sub3A_407 = vector.broadcast %sub3A_406 : f32 to vector<16xf32>
    %sub3A_408 = arith.subf %sub3A_407, %get3A_399 : vector<16xf32>
    %get3A_409 = arith.constant 16 : index
    %get3A_410 = tpu.vector_load %arg14[%get3A_409] {strides = array<i32>} : memref<64xf32, #tpu.memory_space<vmem>>, vector<16xf32>,
    %mul3A_411 = arith.mulf %sub3A_408, %get3A_410 : vector<16xf32>
    %add3A_412 = arith.constant 9.99999996E-13 : f32
    %add3A_413 = vector.broadcast %add3A_412 : f32 to vector<16xf32>
    %add3A_414 = arith.addf %mul3A_411, %add3A_413 : vector<16xf32>
    %select_n3A_415 = arith.select %lt3A_397, %add3A_405, %add3A_414 : vector<16xi1>, vector<16xf32>
    %bitcast3A_416 = vector.bitcast %select_n3A_415 : vector<16xf32> to vector<16xi32>
    %shift_right_arithmetic3A_417 = arith.constant 23 : i32
    %shift_right_arithmetic3A_418 = vector.broadcast %shift_right_arithmetic3A_417 : i32 to vector<16xi32>
    %shift_right_arithmetic3A_419 = arith.shrsi %bitcast3A_416, %shift_right_arithmetic3A_418 : vector<16xi32>
    %sub3A_420 = arith.constant 127 : i32
    %sub3A_421 = vector.broadcast %sub3A_420 : i32 to vector<16xi32>
    %sub3A_422 = arith.subi %shift_right_arithmetic3A_419, %sub3A_421 : vector<16xi32>
    %and3A_423 = arith.constant 8388607 : i32
    %and3A_424 = vector.broadcast %and3A_423 : i32 to vector<16xi32>
    %and3A_425 = arith.andi %bitcast3A_416, %and3A_424 : vector<16xi32>
    %or3A_426 = arith.constant 1065353216 : i32
    %or3A_427 = vector.broadcast %or3A_426 : i32 to vector<16xi32>
    %or3A_428 = arith.ori %and3A_425, %or3A_427 : vector<16xi32>
    %bitcast3A_429 = vector.bitcast %or3A_428 : vector<16xi32> to vector<16xf32>
    %gt3A_430 = arith.constant 1.41421354 : f32
    %gt3A_431 = vector.broadcast %gt3A_430 : f32 to vector<16xf32>
    %gt3A_432 = arith.cmpf ogt, %bitcast3A_429, %gt3A_431 : vector<16xf32>
    %mul3A_433 = arith.constant 5.000000e-01 : f32
    %mul3A_434 = vector.broadcast %mul3A_433 : f32 to vector<16xf32>
    %mul3A_435 = arith.mulf %bitcast3A_429, %mul3A_434 : vector<16xf32>
    %select_n3A_436 = arith.select %gt3A_432, %mul3A_435, %bitcast3A_429 : vector<16xi1>, vector<16xf32>
    %convert_element_type3A_437 = arith.extui %gt3A_432 : vector<16xi1> to vector<16xi32>
    %add3A_438 = arith.addi %sub3A_422, %convert_element_type3A_437 : vector<16xi32>
    %convert_element_type3A_439 = arith.sitofp %add3A_438 : vector<16xi32> to vector<16xf32>
    %sub3A_440 = arith.constant 1.000000e+00 : f32
    %sub3A_441 = vector.broadcast %sub3A_440 : f32 to vector<16xf32>
    %sub3A_442 = arith.subf %select_n3A_436, %sub3A_441 : vector<16xf32>
    %add3A_443 = arith.constant 1.000000e+00 : f32
    %add3A_444 = vector.broadcast %add3A_443 : f32 to vector<16xf32>
    %add3A_445 = arith.addf %select_n3A_436, %add3A_444 : vector<16xf32>
    %div3A_446 = arith.divf %sub3A_442, %add3A_445 : vector<16xf32>
    %mul3A_447 = arith.mulf %div3A_446, %div3A_446 : vector<16xf32>
    %mul3A_448 = arith.constant 0.111111112 : f32
    %mul3A_449 = vector.broadcast %mul3A_448 : f32 to vector<16xf32>
    %mul3A_450 = arith.mulf %mul3A_449, %mul3A_447 : vector<16xf32>
    %add3A_451 = arith.constant 0.142857149 : f32
    %add3A_452 = vector.broadcast %add3A_451 : f32 to vector<16xf32>
    %add3A_453 = arith.addf %mul3A_450, %add3A_452 : vector<16xf32>
    %mul3A_454 = arith.mulf %add3A_453, %mul3A_447 : vector<16xf32>
    %add3A_455 = arith.constant 2.000000e-01 : f32
    %add3A_456 = vector.broadcast %add3A_455 : f32 to vector<16xf32>
    %add3A_457 = arith.addf %mul3A_454, %add3A_456 : vector<16xf32>
    %mul3A_458 = arith.mulf %add3A_457, %mul3A_447 : vector<16xf32>
    %add3A_459 = arith.constant 0.333333343 : f32
    %add3A_460 = vector.broadcast %add3A_459 : f32 to vector<16xf32>
    %add3A_461 = arith.addf %mul3A_458, %add3A_460 : vector<16xf32>
    %mul3A_462 = arith.mulf %add3A_461, %mul3A_447 : vector<16xf32>
    %add3A_463 = arith.constant 1.000000e+00 : f32
    %add3A_464 = vector.broadcast %add3A_463 : f32 to vector<16xf32>
    %add3A_465 = arith.addf %mul3A_462, %add3A_464 : vector<16xf32>
    %mul3A_466 = arith.constant 0.693147182 : f32
    %mul3A_467 = vector.broadcast %mul3A_466 : f32 to vector<16xf32>
    %mul3A_468 = arith.mulf %convert_element_type3A_439, %mul3A_467 : vector<16xf32>
    %add3A_469 = arith.addf %add3A_392, %mul3A_468 : vector<16xf32>
    %mul3A_470 = arith.constant 2.000000e+00 : f32
    %mul3A_471 = vector.broadcast %mul3A_470 : f32 to vector<16xf32>
    %mul3A_472 = arith.mulf %mul3A_471, %div3A_446 : vector<16xf32>
    %mul3A_473 = arith.mulf %mul3A_472, %add3A_465 : vector<16xf32>
    %add3A_474 = arith.addf %add3A_469, %mul3A_473 : vector<16xf32>
    %get3A_475 = arith.constant 32 : index
    %get3A_476 = tpu.vector_load %arg8[%get3A_475] {strides = array<i32>} : memref<64xi32, #tpu.memory_space<vmem>>, vector<16xi32>,
    %lt3A_477 = arith.constant 100000 : i32
    %lt3A_478 = vector.broadcast %lt3A_477 : i32 to vector<16xi32>
    %lt3A_479 = arith.cmpi slt, %get3A_476, %lt3A_478 : vector<16xi32>
    %get3A_480 = arith.constant 32 : index
    %get3A_481 = tpu.vector_load %arg10[%get3A_480] {strides = array<i32>} : memref<64xf32, #tpu.memory_space<vmem>>, vector<16xf32>,
    %get3A_482 = arith.constant 32 : index
    %get3A_483 = tpu.vector_load %arg13[%get3A_482] {strides = array<i32>} : memref<64xf32, #tpu.memory_space<vmem>>, vector<16xf32>,
    %mul3A_484 = arith.mulf %get3A_481, %get3A_483 : vector<16xf32>
    %add3A_485 = arith.constant 9.99999996E-13 : f32
    %add3A_486 = vector.broadcast %add3A_485 : f32 to vector<16xf32>
    %add3A_487 = arith.addf %mul3A_484, %add3A_486 : vector<16xf32>
    %sub3A_488 = arith.constant 1.000000e+00 : f32
    %sub3A_489 = vector.broadcast %sub3A_488 : f32 to vector<16xf32>
    %sub3A_490 = arith.subf %sub3A_489, %get3A_481 : vector<16xf32>
    %get3A_491 = arith.constant 32 : index
    %get3A_492 = tpu.vector_load %arg14[%get3A_491] {strides = array<i32>} : memref<64xf32, #tpu.memory_space<vmem>>, vector<16xf32>,
    %mul3A_493 = arith.mulf %sub3A_490, %get3A_492 : vector<16xf32>
    %add3A_494 = arith.constant 9.99999996E-13 : f32
    %add3A_495 = vector.broadcast %add3A_494 : f32 to vector<16xf32>
    %add3A_496 = arith.addf %mul3A_493, %add3A_495 : vector<16xf32>
    %select_n3A_497 = arith.select %lt3A_479, %add3A_487, %add3A_496 : vector<16xi1>, vector<16xf32>
    %bitcast3A_498 = vector.bitcast %select_n3A_497 : vector<16xf32> to vector<16xi32>
    %shift_right_arithmetic3A_499 = arith.constant 23 : i32
    %shift_right_arithmetic3A_500 = vector.broadcast %shift_right_arithmetic3A_499 : i32 to vector<16xi32>
    %shift_right_arithmetic3A_501 = arith.shrsi %bitcast3A_498, %shift_right_arithmetic3A_500 : vector<16xi32>
    %sub3A_502 = arith.constant 127 : i32
    %sub3A_503 = vector.broadcast %sub3A_502 : i32 to vector<16xi32>
    %sub3A_504 = arith.subi %shift_right_arithmetic3A_501, %sub3A_503 : vector<16xi32>
    %and3A_505 = arith.constant 8388607 : i32
    %and3A_506 = vector.broadcast %and3A_505 : i32 to vector<16xi32>
    %and3A_507 = arith.andi %bitcast3A_498, %and3A_506 : vector<16xi32>
    %or3A_508 = arith.constant 1065353216 : i32
    %or3A_509 = vector.broadcast %or3A_508 : i32 to vector<16xi32>
    %or3A_510 = arith.ori %and3A_507, %or3A_509 : vector<16xi32>
    %bitcast3A_511 = vector.bitcast %or3A_510 : vector<16xi32> to vector<16xf32>
    %gt3A_512 = arith.constant 1.41421354 : f32
    %gt3A_513 = vector.broadcast %gt3A_512 : f32 to vector<16xf32>
    %gt3A_514 = arith.cmpf ogt, %bitcast3A_511, %gt3A_513 : vector<16xf32>
    %mul3A_515 = arith.constant 5.000000e-01 : f32
    %mul3A_516 = vector.broadcast %mul3A_515 : f32 to vector<16xf32>
    %mul3A_517 = arith.mulf %bitcast3A_511, %mul3A_516 : vector<16xf32>
    %select_n3A_518 = arith.select %gt3A_514, %mul3A_517, %bitcast3A_511 : vector<16xi1>, vector<16xf32>
    %convert_element_type3A_519 = arith.extui %gt3A_514 : vector<16xi1> to vector<16xi32>
    %add3A_520 = arith.addi %sub3A_504, %convert_element_type3A_519 : vector<16xi32>
    %convert_element_type3A_521 = arith.sitofp %add3A_520 : vector<16xi32> to vector<16xf32>
    %sub3A_522 = arith.constant 1.000000e+00 : f32
    %sub3A_523 = vector.broadcast %sub3A_522 : f32 to vector<16xf32>
    %sub3A_524 = arith.subf %select_n3A_518, %sub3A_523 : vector<16xf32>
    %add3A_525 = arith.constant 1.000000e+00 : f32
    %add3A_526 = vector.broadcast %add3A_525 : f32 to vector<16xf32>
    %add3A_527 = arith.addf %select_n3A_518, %add3A_526 : vector<16xf32>
    %div3A_528 = arith.divf %sub3A_524, %add3A_527 : vector<16xf32>
    %mul3A_529 = arith.mulf %div3A_528, %div3A_528 : vector<16xf32>
    %mul3A_530 = arith.constant 0.111111112 : f32
    %mul3A_531 = vector.broadcast %mul3A_530 : f32 to vector<16xf32>
    %mul3A_532 = arith.mulf %mul3A_531, %mul3A_529 : vector<16xf32>
    %add3A_533 = arith.constant 0.142857149 : f32
    %add3A_534 = vector.broadcast %add3A_533 : f32 to vector<16xf32>
    %add3A_535 = arith.addf %mul3A_532, %add3A_534 : vector<16xf32>
    %mul3A_536 = arith.mulf %add3A_535, %mul3A_529 : vector<16xf32>
    %add3A_537 = arith.constant 2.000000e-01 : f32
    %add3A_538 = vector.broadcast %add3A_537 : f32 to vector<16xf32>
    %add3A_539 = arith.addf %mul3A_536, %add3A_538 : vector<16xf32>
    %mul3A_540 = arith.mulf %add3A_539, %mul3A_529 : vector<16xf32>
    %add3A_541 = arith.constant 0.333333343 : f32
    %add3A_542 = vector.broadcast %add3A_541 : f32 to vector<16xf32>
    %add3A_543 = arith.addf %mul3A_540, %add3A_542 : vector<16xf32>
    %mul3A_544 = arith.mulf %add3A_543, %mul3A_529 : vector<16xf32>
    %add3A_545 = arith.constant 1.000000e+00 : f32
    %add3A_546 = vector.broadcast %add3A_545 : f32 to vector<16xf32>
    %add3A_547 = arith.addf %mul3A_544, %add3A_546 : vector<16xf32>
    %mul3A_548 = arith.constant 0.693147182 : f32
    %mul3A_549 = vector.broadcast %mul3A_548 : f32 to vector<16xf32>
    %mul3A_550 = arith.mulf %convert_element_type3A_521, %mul3A_549 : vector<16xf32>
    %add3A_551 = arith.addf %add3A_474, %mul3A_550 : vector<16xf32>
    %mul3A_552 = arith.constant 2.000000e+00 : f32
    %mul3A_553 = vector.broadcast %mul3A_552 : f32 to vector<16xf32>
    %mul3A_554 = arith.mulf %mul3A_553, %div3A_528 : vector<16xf32>
    %mul3A_555 = arith.mulf %mul3A_554, %add3A_547 : vector<16xf32>
    %add3A_556 = arith.addf %add3A_551, %mul3A_555 : vector<16xf32>
    %get3A_557 = arith.constant 48 : index
    %get3A_558 = tpu.vector_load %arg8[%get3A_557] {strides = array<i32>} : memref<64xi32, #tpu.memory_space<vmem>>, vector<16xi32>,
    %lt3A_559 = arith.constant 100000 : i32
    %lt3A_560 = vector.broadcast %lt3A_559 : i32 to vector<16xi32>
    %lt3A_561 = arith.cmpi slt, %get3A_558, %lt3A_560 : vector<16xi32>
    %get3A_562 = arith.constant 48 : index
    %get3A_563 = tpu.vector_load %arg10[%get3A_562] {strides = array<i32>} : memref<64xf32, #tpu.memory_space<vmem>>, vector<16xf32>,
    %get3A_564 = arith.constant 48 : index
    %get3A_565 = tpu.vector_load %arg13[%get3A_564] {strides = array<i32>} : memref<64xf32, #tpu.memory_space<vmem>>, vector<16xf32>,
    %mul3A_566 = arith.mulf %get3A_563, %get3A_565 : vector<16xf32>
    %add3A_567 = arith.constant 9.99999996E-13 : f32
    %add3A_568 = vector.broadcast %add3A_567 : f32 to vector<16xf32>
    %add3A_569 = arith.addf %mul3A_566, %add3A_568 : vector<16xf32>
    %sub3A_570 = arith.constant 1.000000e+00 : f32
    %sub3A_571 = vector.broadcast %sub3A_570 : f32 to vector<16xf32>
    %sub3A_572 = arith.subf %sub3A_571, %get3A_563 : vector<16xf32>
    %get3A_573 = arith.constant 48 : index
    %get3A_574 = tpu.vector_load %arg14[%get3A_573] {strides = array<i32>} : memref<64xf32, #tpu.memory_space<vmem>>, vector<16xf32>,
    %mul3A_575 = arith.mulf %sub3A_572, %get3A_574 : vector<16xf32>
    %add3A_576 = arith.constant 9.99999996E-13 : f32
    %add3A_577 = vector.broadcast %add3A_576 : f32 to vector<16xf32>
    %add3A_578 = arith.addf %mul3A_575, %add3A_577 : vector<16xf32>
    %select_n3A_579 = arith.select %lt3A_561, %add3A_569, %add3A_578 : vector<16xi1>, vector<16xf32>
    %bitcast3A_580 = vector.bitcast %select_n3A_579 : vector<16xf32> to vector<16xi32>
    %shift_right_arithmetic3A_581 = arith.constant 23 : i32
    %shift_right_arithmetic3A_582 = vector.broadcast %shift_right_arithmetic3A_581 : i32 to vector<16xi32>
    %shift_right_arithmetic3A_583 = arith.shrsi %bitcast3A_580, %shift_right_arithmetic3A_582 : vector<16xi32>
    %sub3A_584 = arith.constant 127 : i32
    %sub3A_585 = vector.broadcast %sub3A_584 : i32 to vector<16xi32>
    %sub3A_586 = arith.subi %shift_right_arithmetic3A_583, %sub3A_585 : vector<16xi32>
    %and3A_587 = arith.constant 8388607 : i32
    %and3A_588 = vector.broadcast %and3A_587 : i32 to vector<16xi32>
    %and3A_589 = arith.andi %bitcast3A_580, %and3A_588 : vector<16xi32>
    %or3A_590 = arith.constant 1065353216 : i32
    %or3A_591 = vector.broadcast %or3A_590 : i32 to vector<16xi32>
    %or3A_592 = arith.ori %and3A_589, %or3A_591 : vector<16xi32>
    %bitcast3A_593 = vector.bitcast %or3A_592 : vector<16xi32> to vector<16xf32>
    %gt3A_594 = arith.constant 1.41421354 : f32
    %gt3A_595 = vector.broadcast %gt3A_594 : f32 to vector<16xf32>
    %gt3A_596 = arith.cmpf ogt, %bitcast3A_593, %gt3A_595 : vector<16xf32>
    %mul3A_597 = arith.constant 5.000000e-01 : f32
    %mul3A_598 = vector.broadcast %mul3A_597 : f32 to vector<16xf32>
    %mul3A_599 = arith.mulf %bitcast3A_593, %mul3A_598 : vector<16xf32>
    %select_n3A_600 = arith.select %gt3A_596, %mul3A_599, %bitcast3A_593 : vector<16xi1>, vector<16xf32>
    %convert_element_type3A_601 = arith.extui %gt3A_596 : vector<16xi1> to vector<16xi32>
    %add3A_602 = arith.addi %sub3A_586, %convert_element_type3A_601 : vector<16xi32>
    %convert_element_type3A_603 = arith.sitofp %add3A_602 : vector<16xi32> to vector<16xf32>
    %sub3A_604 = arith.constant 1.000000e+00 : f32
    %sub3A_605 = vector.broadcast %sub3A_604 : f32 to vector<16xf32>
    %sub3A_606 = arith.subf %select_n3A_600, %sub3A_605 : vector<16xf32>
    %add3A_607 = arith.constant 1.000000e+00 : f32
    %add3A_608 = vector.broadcast %add3A_607 : f32 to vector<16xf32>
    %add3A_609 = arith.addf %select_n3A_600, %add3A_608 : vector<16xf32>
    %div3A_610 = arith.divf %sub3A_606, %add3A_609 : vector<16xf32>
    %mul3A_611 = arith.mulf %div3A_610, %div3A_610 : vector<16xf32>
    %mul3A_612 = arith.constant 0.111111112 : f32
    %mul3A_613 = vector.broadcast %mul3A_612 : f32 to vector<16xf32>
    %mul3A_614 = arith.mulf %mul3A_613, %mul3A_611 : vector<16xf32>
    %add3A_615 = arith.constant 0.142857149 : f32
    %add3A_616 = vector.broadcast %add3A_615 : f32 to vector<16xf32>
    %add3A_617 = arith.addf %mul3A_614, %add3A_616 : vector<16xf32>
    %mul3A_618 = arith.mulf %add3A_617, %mul3A_611 : vector<16xf32>
    %add3A_619 = arith.constant 2.000000e-01 : f32
    %add3A_620 = vector.broadcast %add3A_619 : f32 to vector<16xf32>
    %add3A_621 = arith.addf %mul3A_618, %add3A_620 : vector<16xf32>
    %mul3A_622 = arith.mulf %add3A_621, %mul3A_611 : vector<16xf32>
    %add3A_623 = arith.constant 0.333333343 : f32
    %add3A_624 = vector.broadcast %add3A_623 : f32 to vector<16xf32>
    %add3A_625 = arith.addf %mul3A_622, %add3A_624 : vector<16xf32>
    %mul3A_626 = arith.mulf %add3A_625, %mul3A_611 : vector<16xf32>
    %add3A_627 = arith.constant 1.000000e+00 : f32
    %add3A_628 = vector.broadcast %add3A_627 : f32 to vector<16xf32>
    %add3A_629 = arith.addf %mul3A_626, %add3A_628 : vector<16xf32>
    %mul3A_630 = arith.constant 0.693147182 : f32
    %mul3A_631 = vector.broadcast %mul3A_630 : f32 to vector<16xf32>
    %mul3A_632 = arith.mulf %convert_element_type3A_603, %mul3A_631 : vector<16xf32>
    %add3A_633 = arith.addf %add3A_556, %mul3A_632 : vector<16xf32>
    %mul3A_634 = arith.constant 2.000000e+00 : f32
    %mul3A_635 = vector.broadcast %mul3A_634 : f32 to vector<16xf32>
    %mul3A_636 = arith.mulf %mul3A_635, %div3A_610 : vector<16xf32>
    %mul3A_637 = arith.mulf %mul3A_636, %add3A_629 : vector<16xf32>
    %add3A_638 = arith.addf %add3A_633, %mul3A_637 : vector<16xf32>
    %swap3A_639 = arith.constant 0 : index
    %swap3A_640 = tpu.vector_load %arg15[%swap3A_639] {strides = array<i32>} : memref<16xf32, #tpu.memory_space<vmem>>, vector<16xf32>,
    tpu.vector_store %arg15[%swap3A_639], %add3A_638 {strides = array<i32>} : memref<16xf32, #tpu.memory_space<vmem>>, vector<16xf32>,
    %mul3A_641 = arith.constant 16 : i32
    %mul3A_642 = arith.muli %arg1, %mul3A_641 : i32
    "tpu.region"() ({
      %run_scoped3A = tpu.sem_alloc : memref<!tpu.dma_semaphore, #tpu.memory_space<semaphore_mem>>
      %dma_start3A_646 = tpu.memref_slice %arg18[%mul3A_642] : memref<256xf32, #tpu.memory_space<vmem_shared>> -> memref<16xf32, #tpu.memory_space<vmem_shared>>
      %dma_start3A_647 = tpu.memref_slice %arg18[%mul3A_642] : memref<256xf32, #tpu.memory_space<vmem_shared>> -> memref<16xf32, #tpu.memory_space<vmem_shared>>
      tpu.enqueue_dma source(%arg15 : memref<16xf32, #tpu.memory_space<vmem>>) target(%dma_start3A_647 : memref<16xf32, #tpu.memory_space<vmem_shared>>) target_semaphore(%run_scoped3A : memref<!tpu.dma_semaphore, #tpu.memory_space<semaphore_mem>>)
      %dma_wait3A_648 = tpu.memref_slice %arg18[%mul3A_642] : memref<256xf32, #tpu.memory_space<vmem_shared>> -> memref<16xf32, #tpu.memory_space<vmem_shared>>
      %dma_wait3A_649 = tpu.memref_slice %arg18[%mul3A_642] : memref<256xf32, #tpu.memory_space<vmem_shared>> -> memref<16xf32, #tpu.memory_space<vmem_shared>>
      tpu.wait_dma2 semaphore(%run_scoped3A : memref<!tpu.dma_semaphore, #tpu.memory_space<semaphore_mem>>) src(%arg15 : memref<16xf32, #tpu.memory_space<vmem>>) dst(%dma_wait3A_649 : memref<16xf32, #tpu.memory_space<vmem_shared>>)
      tpu.yield
    }) : () -> ()
    %barrier3A = arith.constant 0 : index
    tpu.barrier barrier_id(%barrier3A)
    %eq3A = arith.constant 0 : i32
    %eq3A_643 = arith.cmpi eq, %arg1, %eq3A : i32
    %convert_element_type3A_644 = arith.extui %eq3A_643 : i1 to i32
    %cond3A = arith.constant 0 : i32
    %cond3A_645 = arith.cmpi ne, %convert_element_type3A_644, %cond3A : i32
    scf.if %cond3A_645 {
      "tpu.region"() ({
        %run_scoped3A = tpu.sem_alloc : memref<!tpu.dma_semaphore, #tpu.memory_space<semaphore_mem>>
        tpu.enqueue_dma source(%arg18 : memref<256xf32, #tpu.memory_space<vmem_shared>>) target(%arg16 : memref<256xf32, #tpu.memory_space<vmem>>) target_semaphore(%run_scoped3A : memref<!tpu.dma_semaphore, #tpu.memory_space<semaphore_mem>>)
        tpu.wait_dma2 semaphore(%run_scoped3A : memref<!tpu.dma_semaphore, #tpu.memory_space<semaphore_mem>>) src(%arg18 : memref<256xf32, #tpu.memory_space<vmem_shared>>) dst(%arg16 : memref<256xf32, #tpu.memory_space<vmem>>)
        tpu.yield
      }) : () -> ()
      %get3A_646 = arith.constant 0 : index
      %get3A_647 = tpu.vector_load %arg16[%get3A_646] {strides = array<i32>} : memref<256xf32, #tpu.memory_space<vmem>>, vector<16xf32>,
      %get3A_648 = arith.constant 16 : index
      %get3A_649 = tpu.vector_load %arg16[%get3A_648] {strides = array<i32>} : memref<256xf32, #tpu.memory_space<vmem>>, vector<16xf32>,
      %add3A_650 = arith.addf %get3A_647, %get3A_649 : vector<16xf32>
      %get3A_651 = arith.constant 32 : index
      %get3A_652 = tpu.vector_load %arg16[%get3A_651] {strides = array<i32>} : memref<256xf32, #tpu.memory_space<vmem>>, vector<16xf32>,
      %add3A_653 = arith.addf %add3A_650, %get3A_652 : vector<16xf32>
      %get3A_654 = arith.constant 48 : index
      %get3A_655 = tpu.vector_load %arg16[%get3A_654] {strides = array<i32>} : memref<256xf32, #tpu.memory_space<vmem>>, vector<16xf32>,
      %add3A_656 = arith.addf %add3A_653, %get3A_655 : vector<16xf32>
      %get3A_657 = arith.constant 64 : index
      %get3A_658 = tpu.vector_load %arg16[%get3A_657] {strides = array<i32>} : memref<256xf32, #tpu.memory_space<vmem>>, vector<16xf32>,
      %add3A_659 = arith.addf %add3A_656, %get3A_658 : vector<16xf32>
      %get3A_660 = arith.constant 80 : index
      %get3A_661 = tpu.vector_load %arg16[%get3A_660] {strides = array<i32>} : memref<256xf32, #tpu.memory_space<vmem>>, vector<16xf32>,
      %add3A_662 = arith.addf %add3A_659, %get3A_661 : vector<16xf32>
      %get3A_663 = arith.constant 96 : index
      %get3A_664 = tpu.vector_load %arg16[%get3A_663] {strides = array<i32>} : memref<256xf32, #tpu.memory_space<vmem>>, vector<16xf32>,
      %add3A_665 = arith.addf %add3A_662, %get3A_664 : vector<16xf32>
      %get3A_666 = arith.constant 112 : index
      %get3A_667 = tpu.vector_load %arg16[%get3A_666] {strides = array<i32>} : memref<256xf32, #tpu.memory_space<vmem>>, vector<16xf32>,
      %add3A_668 = arith.addf %add3A_665, %get3A_667 : vector<16xf32>
      %get3A_669 = arith.constant 128 : index
      %get3A_670 = tpu.vector_load %arg16[%get3A_669] {strides = array<i32>} : memref<256xf32, #tpu.memory_space<vmem>>, vector<16xf32>,
      %add3A_671 = arith.addf %add3A_668, %get3A_670 : vector<16xf32>
      %get3A_672 = arith.constant 144 : index
      %get3A_673 = tpu.vector_load %arg16[%get3A_672] {strides = array<i32>} : memref<256xf32, #tpu.memory_space<vmem>>, vector<16xf32>,
      %add3A_674 = arith.addf %add3A_671, %get3A_673 : vector<16xf32>
      %get3A_675 = arith.constant 160 : index
      %get3A_676 = tpu.vector_load %arg16[%get3A_675] {strides = array<i32>} : memref<256xf32, #tpu.memory_space<vmem>>, vector<16xf32>,
      %add3A_677 = arith.addf %add3A_674, %get3A_676 : vector<16xf32>
      %get3A_678 = arith.constant 176 : index
      %get3A_679 = tpu.vector_load %arg16[%get3A_678] {strides = array<i32>} : memref<256xf32, #tpu.memory_space<vmem>>, vector<16xf32>,
      %add3A_680 = arith.addf %add3A_677, %get3A_679 : vector<16xf32>
      %get3A_681 = arith.constant 192 : index
      %get3A_682 = tpu.vector_load %arg16[%get3A_681] {strides = array<i32>} : memref<256xf32, #tpu.memory_space<vmem>>, vector<16xf32>,
      %add3A_683 = arith.addf %add3A_680, %get3A_682 : vector<16xf32>
      %get3A_684 = arith.constant 208 : index
      %get3A_685 = tpu.vector_load %arg16[%get3A_684] {strides = array<i32>} : memref<256xf32, #tpu.memory_space<vmem>>, vector<16xf32>,
      %add3A_686 = arith.addf %add3A_683, %get3A_685 : vector<16xf32>
      %get3A_687 = arith.constant 224 : index
      %get3A_688 = tpu.vector_load %arg16[%get3A_687] {strides = array<i32>} : memref<256xf32, #tpu.memory_space<vmem>>, vector<16xf32>,
      %add3A_689 = arith.addf %add3A_686, %get3A_688 : vector<16xf32>
      %get3A_690 = arith.constant 240 : index
      %get3A_691 = tpu.vector_load %arg16[%get3A_690] {strides = array<i32>} : memref<256xf32, #tpu.memory_space<vmem>>, vector<16xf32>,
      %add3A_692 = arith.addf %add3A_689, %get3A_691 : vector<16xf32>
      %reduce_sum3A = arith.constant true
      %reduce_sum3A_693 = vector.broadcast %reduce_sum3A : i1 to vector<16xi1>
      %reduce_sum3A_694 = tpu.scan <sum>, %add3A_692 masked %reduce_sum3A_693 : vector<16xf32>, vector<16xi1> -> vector<16xf32>
      %reduce_sum3A_695 = vector.extract %reduce_sum3A_694[15] : f32 from vector<16xf32>
      %mul3A_696 = arith.constant -9.765625E-4 : f32
      %mul3A_697 = arith.mulf %reduce_sum3A_695, %mul3A_696 : f32
      %convert_element_type3A_698 = arith.sitofp %iota3A : vector<16xi32> to vector<16xf32>
      %mul3A_699 = arith.constant 0.000000e+00 : f32
      %mul3A_700 = vector.broadcast %mul3A_699 : f32 to vector<16xf32>
      %mul3A_701 = arith.mulf %convert_element_type3A_698, %mul3A_700 : vector<16xf32>
      %add3A_702 = vector.broadcast %mul3A_697 : f32 to vector<16xf32>
      %add3A_703 = arith.addf %add3A_702, %mul3A_701 : vector<16xf32>
      %swap3A_704 = arith.constant 0 : index
      %swap3A_705 = tpu.vector_load %arg17[%swap3A_704] {strides = array<i32>} : memref<16xf32, #tpu.memory_space<vmem>>, vector<16xf32>,
      tpu.vector_store %arg17[%swap3A_704], %add3A_703 {strides = array<i32>} : memref<16xf32, #tpu.memory_space<vmem>>, vector<16xf32>,
      "tpu.region"() ({
        %run_scoped3A = tpu.sem_alloc : memref<!tpu.dma_semaphore, #tpu.memory_space<semaphore_mem>>
        tpu.enqueue_dma source(%arg17 : memref<16xf32, #tpu.memory_space<vmem>>) target(%arg7 : memref<16xf32, #tpu.memory_space<hbm>>) target_semaphore(%run_scoped3A : memref<!tpu.dma_semaphore, #tpu.memory_space<semaphore_mem>>)
        tpu.wait_dma2 semaphore(%run_scoped3A : memref<!tpu.dma_semaphore, #tpu.memory_space<semaphore_mem>>) src(%arg17 : memref<16xf32, #tpu.memory_space<vmem>>) dst(%arg7 : memref<16xf32, #tpu.memory_space<hbm>>)
        tpu.yield
      }) : () -> ()
    } else {
    }
    return
  }
}

</mosaic_0001>

<sc_bundles>
// kernel: kernel.3.cloned.1.call-start
scs
__scs_entry_jumppad:
0x0: {  	(pc) =	sbr.rel $0x88, $3  }
0x1: {  	(tag) =	ssettag $0x0;
	lr =	simm.s32 $0x1  }
0x2: {  	[smem:$0x3F9C] =	sst lr;
	_ =	strace $0xD0000000  }
0x3: {  	_ = 	snop  }
0x4: {  	_ = 	snop  }
0x5: {  	_ = 	snop  }
0x6: {  	_ = 	snop  }
0x7: {  	_ = 	snop  }
__scs_overlays_trampoline_lowered:
0x8: {  	[smem:$0x3FAB] =	sst s0  }
0x9: {  	[smem:$0x3FAC] =	sst s1  }
0xa: {  	[smem:$0x3FAD] =	sst s2  }
0xb: {  	[smem:$0x3FAE] =	sst s3  }
0xc: {  	[smem:$0x3FAF] =	sst s4  }
0xd: {  	[smem:$0x3FB0] =	sst s5  }
0xe: {  	[smem:$0x3FB1] =	sst s6  }
0xf: {  	[smem:$0x3FB2] =	sst s7  }
0x10: {  	[smem:$0x3FB3] =	sst s8  }
0x11: {  	[smem:$0x3FB4] =	sst s9;
	s0 =	simm.s32 @!p0 $0x0  }
0x12: {  	s1 =	sld [smem:$0x3F9A];
	s0 =	simm.s32 @p0 $0x1  }
0x13: {  	[smem:$0x3FB5] =	sst s0;
	s0 =	simm.s32 @!p1 $0x0  }
0x14: {  	s2 =	sld [smem:$0x3F99];
	s0 =	simm.s32 @p1 $0x1  }
0x15: {  	[smem:$0x3FB6] =	sst s0;
	s0 =	simm.s32 @!p2 $0x0  }
0x16: {  	s3 =	sld [smem:$0x3FDB];
	s0 =	simm.s32 @p2 $0x1  }
0x17: {  	s4 =	simm.s32 $0x1BF5;
	[smem:$0x3FB8] =	sst s0  }
0x18: {  	s0 =	sld [smem:$0x3F9B];
	_ =	swait.ge [sflag:s4], $0x0  }
0x19: {  	s7 =	sld [smem:$0x3F9C]  }
0x1a: {  	s8 =	sadd.s32 $0xFFFFE003, lr  }
0x1b: {  	s9 =	sadd.s32 $0xFFFFFEF7, lr;
	s5 =	simm.s32 $0xFFFFFFFF;
	p2 =	slt.u32 s8, $0xFFFFF086  }
0x1c: {  	p1 =	slt.u32 s9, $0xF7A;
	s5 =	simm.s32 @!p2 $0x0  }
0x1d: {  	s5 =	simm.s32 @p1 $0x1;
	p0 =	seq.s32 s7, s2  }
0x1e: {  	s7 =	smul.u32 @!p0 $0xF7A, s2;
	p2 =	seq.s32 @!p0 s5, $0x0  }
0x1f: {  	s9 =	smul.u32 $0xF7A, s1;
	s8 =	simm.s32 @!p0 $0x1BF5;
	p2 =	por !p2, p0  }
0x20: {  	[sflag:s8] =	ssyncset.s32 @!p0 $0xFFFFF086;
	s6 =	sadd.s32 @!p0 s3, s7;
	s7 =	simm.s32 @!p0 $0x108  }
0x21: {  	s3 =	sadd.s32 s3, s9;
	s6 =	sadd.s32 @!p0 $0x88, s6;
	s7 =	simm.s32 @p2 $0x1082  }
0x22: {  	[simem:s7], [sflag:s8] =	dma.local @!p0 [hbm:s6], $0xF7A  }
0x23: {  	s9 =	sor.u32 $0xD0000000, s2;
	s6 =	simm.s32 $0x108;
	_ =	swait.ge @!p0 [sflag:s8], $0x0  }
0x24: {  	s3 =	sadd.s32 $0x88, s3;
	s6 =	simm.s32 @!p1 $0x1082;
	[sflag:s4] =	ssyncset.s32 $0xFFFFF086  }
0x25: {  	[simem:s6], [sflag:s4] =	dma.local [hbm:s3], $0xF7A  }
0x26: {  	[smem:$0x3F9C] =	sst s1;
	(tag) =	ssettag s2;
	_ =	strace s9  }
0x27: {  	s1 =	sld [smem:$0x3FAC]  }
0x28: {  	s2 =	sld [smem:$0x3FAD]  }
0x29: {  	s4 =	sld [smem:$0x3FAF]  }
0x2a: {  	p0 =	seq.s32 s5, $0x0;
	s5 =	sld [smem:$0x3FB0]  }
0x2b: {  	s6 =	sld [smem:$0x3FB1]  }
0x2c: {  	s7 =	sld [smem:$0x3FB2]  }
0x2d: {  	s3 =	simm.s32 $0x108;
	s8 =	sld [smem:$0x3FB3]  }
0x2e: {  	s3 =	simm.s32 @!p0 $0x1082;
	s9 =	sld [smem:$0x3FB4]  }
0x2f: {  	lr =	sadd.s32 s0, s3;
	s0 =	sld [smem:$0x3FAB]  }
0x30: {  	s3 =	sld [smem:$0x3FAE]  }
0x31: {  	[smem:$0x3FB7] =	sst s10  }
0x32: {  	s10 =	sld [smem:$0x3FB5];
	_ =	sdelay $0x3  }
0x33: {  	p0 =	seq.s32 s10, $0x1;
	s10 =	sld [smem:$0x3FB7];
	_ =	sdelay $0x3  }
0x34: {  	[smem:$0x3FB7] =	sst s10  }
0x35: {  	s10 =	sld [smem:$0x3FB6];
	_ =	sdelay $0x3  }
0x36: {  	p1 =	seq.s32 s10, $0x1;
	s10 =	sld [smem:$0x3FB7];
	_ =	sdelay $0x3  }
0x37: {  	[smem:$0x3FB7] =	sst s10  }
0x38: {  	s10 =	sld [smem:$0x3FB8]  }
0x39: {  	_ = 	snop;
	(pc) =	sbr.ind lr, $3  }
0x3a: {  	_ = 	snop  }
0x3b: {  	_ = 	snop  }
0x3c: {  	p2 =	seq.s32 s10, $0x1;
	s10 =	sld [smem:$0x3FB7]  }
0x3d: {  	_ =	shalt  }
0x3e: {  	_ =	shalt  }
0x3f: {  	_ =	shalt  }
0x40: {  	_ =	shalt  }
0x41: {  	_ =	shalt  }
0x42: {  	_ =	shalt  }
0x43: {  	_ =	shalt  }
0x44: {  	_ =	shalt  }
0x45: {  	_ =	shalt  }
0x46: {  	_ =	shalt  }
0x47: {  	_ =	shalt  }
0x48: {  	_ =	shalt  }
0x49: {  	_ =	shalt  }
0x4a: {  	_ =	shalt  }
0x4b: {  	_ =	shalt  }
0x4c: {  	_ =	shalt  }
0x4d: {  	_ =	shalt  }
0x4e: {  	_ =	shalt  }
0x4f: {  	_ =	shalt  }
0x50: {  	_ =	shalt  }
0x51: {  	_ =	shalt  }
0x52: {  	_ =	shalt  }
0x53: {  	_ =	shalt  }
0x54: {  	_ =	shalt  }
0x55: {  	_ =	shalt  }
0x56: {  	_ =	shalt  }
0x57: {  	_ =	shalt  }
0x58: {  	_ =	shalt  }
0x59: {  	_ =	shalt  }
0x5a: {  	_ =	shalt  }
0x5b: {  	_ =	shalt  }
0x5c: {  	_ =	shalt  }
0x5d: {  	_ =	shalt  }
0x5e: {  	_ =	shalt  }
0x5f: {  	_ =	shalt  }
0x60: {  	_ =	shalt  }
0x61: {  	_ =	shalt  }
0x62: {  	_ =	shalt  }
0x63: {  	_ =	shalt  }
0x64: {  	_ =	shalt  }
0x65: {  	_ =	shalt  }
0x66: {  	_ =	shalt  }
0x67: {  	_ =	shalt  }
0x68: {  	_ =	shalt  }
0x69: {  	_ =	shalt  }
0x6a: {  	_ =	shalt  }
0x6b: {  	_ =	shalt  }
0x6c: {  	_ =	shalt  }
0x6d: {  	_ =	shalt  }
0x6e: {  	_ =	shalt  }
0x6f: {  	_ =	shalt  }
0x70: {  	_ =	shalt  }
0x71: {  	_ =	shalt  }
0x72: {  	_ =	shalt  }
0x73: {  	_ =	shalt  }
0x74: {  	_ =	shalt  }
0x75: {  	_ =	shalt  }
0x76: {  	_ =	shalt  }
0x77: {  	_ =	shalt  }
0x78: {  	_ =	shalt  }
0x79: {  	_ =	shalt  }
0x7a: {  	_ =	shalt  }
0x7b: {  	_ =	shalt  }
0x7c: {  	_ =	shalt  }
0x7d: {  	_ =	shalt  }
0x7e: {  	_ =	shalt  }
0x7f: {  	_ =	shalt  }
0x80: {  	_ =	shalt  }
0x81: {  	_ =	shalt  }
0x82: {  	_ =	shalt  }
0x83: {  	_ =	shalt  }
0x84: {  	_ =	shalt  }
0x85: {  	_ =	shalt  }
0x86: {  	_ =	shalt  }
0x87: {  	_ =	shalt  }
.Lfunc_end0:
.L_simem_size_0:
called_computation_lowered:
.L_overlay_start_0:
0x88: {  	s0 =	sld [smem:$0x3FD9]  }
0x89: {  	s1 =	sld [smem:$0x3FFE];
	_ =	sdelay $0x3  }
0x8a: {  	s0 =	sadd.s32 s1, s0  }
0x8b: {  	[smem:$0x3FC3] =	sst s0  }
0x8c: {  	_ = 	snop  }
0x8d: {  	s0 =	sld [smem:$0x3FC9]  }
0x8e: {  	s17 =	sld [smem:$0x3FC8]  }
0x8f: {  	s2 =	sld [smem:$0x3FC7]  }
0x90: {  	s3 =	sld [smem:$0x3FC6]  }
0x91: {  	s4 =	sld [smem:$0x3FC5]  }
0x92: {  	s5 =	sld [smem:$0x3FD0];
	(tm) =	ssettm $0x1  }
0x93: {  	s6 =	sld [smem:$0x3FFB];
	_ =	sdelay $0x3  }
0x94: {  	_ =	strace s6  }
0x95: {  	s6 =	sld [smem:$0x3FFC];
	_ =	sdelay $0x3  }
0x96: {  	_ =	strace s6  }
0x97: {  	s6 =	sld [smem:$0x3FFD];
	_ =	sdelay $0x3  }
0x98: {  	_ =	strace s6  }
0x99: {  	_ =	strace $0x8FFFFFFF  }
0x9a: {  	s18 =	sld [smem:$0x3FDB];
	_ =	sdelay $0x1  }
0x9b: {  	s7 =	simm.s32 $_scs_section_size  }
0x9c: {  	s8 =	simm.s32 $_size__tile_overlayer_lowered;
	s9 =	simm.s32 $_tile_overlayer_lowered  }
0x9d: {  	s21 =	simm.s32 $0x1BFF;
	s20 =	sshll.u32 s9, $0x1;
	s6 =	sadd.s32 s7, s18  }
0x9e: {  	s10 =	simm.s32 $0x0;
	s19 =	sshll.u32 s8, $0x1;
	s8 =	sadd.s32 s20, s6  }
0x9f: {  	[timem:s10], [sflag:s21] =	dma.local [hbm:s8], s19  }
0xa0: {  	_ =	swait.ge [sflag:s21], s19  }
0xa1: {  	s7 =	ssub.s32 $0x0, s19;
	[sflag:s21] =	ssyncset.done $0x0  }
0xa2: {  	[sflag:s21] =	ssyncadd.s32 s7;
	_ =	sdelay $0x1  }
0xa3: {  	s22 =	simm.s32 $0x1B8B  }
0xa4: {  	_ =	swait.ge [sflag:s22], $0x1  }
0xa5: {  	[sflag:s22] =	ssyncset.done $0x0  }
0xa6: {  	s23 =	simm.s32 $0x1B8E;
	[sflag:s22] =	ssyncadd.s32 $0xFFFFFFFF  }
0xa7: {  	s24 =	simm.s32 $execute0_lowered;
	[smem:$0x3FD2] =	sst s23  }
0xa8: {  	s7 =	sshll.u32 s24, $0x1;
	_ =	strace $0x80000046;
	[dreg:$0x1] =	wrdreg $0xFFFFFFFF  }
0xa9: {  	s25 =	simm.s32 $_size_execute0_lowered;
	s6 =	sadd.s32 s6, s7;
	[dreg:$0x0] =	wrdreg $0x0  }
0xaa: {  	s7 =	sshll.u32 s25, $0x1;
	[dreg:$0x2] =	wrdreg s6  }
0xab: {  	[dreg:$0x3] =	wrdreg s7  }
0xac: {  	[dreg:$0x4] =	wrdreg $0xC0  }
0xad: {  	_ =	task [dreg:s10], $0x5FFFF  }
0xae: {  	[dreg:$0x1] =	wrdreg $0xFFFFFFFF  }
0xaf: {  	[dreg:$0x0] =	wrdreg $0x60  }
0xb0: {  	[dreg:$0x2] =	wrdreg s0  }
0xb1: {  	[dreg:$0x3] =	wrdreg s17  }
0xb2: {  	[dreg:$0x4] =	wrdreg s2  }
0xb3: {  	[dreg:$0x5] =	wrdreg s3  }
0xb4: {  	[dreg:$0x6] =	wrdreg s4  }
0xb5: {  	[dreg:$0x7] =	wrdreg s5  }
0xb6: {  	[dreg:$0x8] =	wrdreg $0x5800  }
0xb7: {  	[dreg:$0x9] =	wrdreg $0x9  }
0xb8: {  	_ =	task.clear_ibuf [dreg:s10], $0xAFFFF;
	_ =	strace $0x90000046  }
0xb9: {  	s26 =	simm.s32 $0x9;
	_ =	strace $0x80000048  }
0xba: {  	_ =	swait.ge [sflag:s26], $0x1  }
0xbb: {  	[sflag:s26] =	ssyncadd.s32 $0xFFFFFFFF  }
0xbc: {  	_ =	strace $0x90000048  }
0xbd: {  	_ =	sfence  }
0xbe: {  	s28 =	sld [smem:$0x0];
	_ =	sdelay $0x1  }
0xbf: {  	s29 =	srdreg.scid  }
0xc0: {  	s30 =	sshll.u32 s29, $0xD;
	s31 =	sshrl.u32 s29, $0x2  }
0xc1: {  	s1 =	sand.u32 $0x1, s29;
	s2 =	sand.u32 $0x4000, s30;
	s0 =	sadd.s32 s31, s28  }
0xc2: {  	s1 =	sor.u32 s2, s1;
	s0 =	sshll.u32 s0, $0x11  }
0xc3: {  	s0 =	sor.u32 s0, s1  }
0xc4: {  	s0 =	sadd.s32 $0x8F2B, s0  }
0xc5: {  	[sflag:s0] =	ssyncadd.remote.s32 $0x1  }
0xc6: {  	_ =	sfence.sel $0xFFFF  }
0xc7: {  	[dreg:$0x0] =	wrdreg $0xFFFFFFFF;
	(pc) =	sbr.abs _section_cstart, $3  }
0xc8: {  	[dreg:$0x1] =	wrdreg $0xFFFFFFFF  }
0xc9: {  	_ =	task.clear_ibuf [dreg:s10], $0x2FFFF;
	_ =	strace $0x9FFFFFFF  }
0xca: {  	(tm) =	ssettm $0x7FFFFFFF  }
0xcb: {  	_ =	shalt  }
tec
execute0_lowered:
.L_overlay_start_1:
0x0: {  	(tag) =	ssettag $0x1  }
0x1: {  	s8 =	rddreg [dreg:$0x0]  }
0x2: {  	s5 =	rddreg [dreg:$0x1]  }
0x3: {  	s4 =	rddreg [dreg:$0x2]  }
0x4: {  	s6 =	rddreg [dreg:$0x3]  }
0x5: {  	s7 =	rddreg [dreg:$0x4]  }
0x6: {  	s1 =	rddreg [dreg:$0x5]  }
0x7: {  	s2 =	rddreg [dreg:$0x6];
	s9 =	simm.s32 $0x0;
	s3 =	stileid.u32  }
0x8: {  	[smem:$0x7FF] =	sst s9;
	s10 =	sshll.u32 s3, $0x3  }
0x9: {  	s0 =	rddreg [dreg:$0x7];
	_ =	strace $0x80000047;
	s6 =	sadd.s32 s6, s10  }
0xa: {  	[tilespmem:s9], [sflag:$0x1] =	stream.linear.gather [hbm4b:s6+s9], $0x40, $0x38;
	[tilespmem:$0x590] =	vst v63  }
0xb: {  	s17 =	simm.s32 $0x80;
	s16 =	sadd.s32 s7, s10  }
0xc: {  	[tilespmem:s17], [sflag:$0x2] =	stream.linear.gather [hbm4b:s16+s9], $0x40, $0x38;
	[tilespmem:$0x590] =	vst v63  }
0xd: {  	s18 =	simm.s32 $0x100;
	s19 =	simm.s32 $0x1;
	s4 =	sadd.s32 s4, s10  }
0xe: {  	[tilespmem:s18], [sflag:$0x1] =	stream.linear.gather [hbm4b:s4+s9], $0x40, $0x38;
	[tilespmem:$0x590] =	vst v63  }
0xf: {  	_ =	swait.ge [sflag:s19], $0x40  }
0x10: {  	[sflag:s19] =	ssyncset.done $0x0  }
0x11: {  	s20 =	simm.s32 $0x2;
	[sflag:s19] =	ssyncadd.s32 $0xFFFFFFC0  }
0x12: {  	_ =	swait.ge [sflag:s20], $0x40  }
0x13: {  	[sflag:s20] =	ssyncset.done $0x0  }
0x14: {  	[sflag:s20] =	ssyncadd.s32 $0xFFFFFFC0  }
0x15: {  	v1 =	vlaneseq.u32;
	s21 =	sshll.u32 s3, $0x6;
	_ =	swait.ge [sflag:s19], $0x40  }
0x16: {  	v0 =	vmov s21;
	v2 =	vor.u32 s21, v1;
	[sflag:s19] =	ssyncset.done $0x0  }
0x17: {  	s22 =	sor.u32 $0x10, s21;
	s23 =	sor.u32 $0x20, s21;
	v0 =	vshll.u32 v0, $0x3;
	v2 =	vand.u32 $0x4F, v2;
	[sflag:s19] =	ssyncadd.s32 $0xFFFFFFC0  }
0x18: {  	s24 =	sor.u32 $0x30, s21;
	v4 =	vmov s22;
	v37 =	vor.u32 s22, v1;
	v5 =	vmov s23;
	v3 =	vld [tilespmem:$0x0]  }
0x19: {  	v6 =	vor.u32 s23, v1;
	v39 =	vmov s24;
	v1 =	vor.u32 s24, v1;
	v7 =	vld [tilespmem:$0x10]  }
0x1a: {  	v0 =	vand.u32 $0x1C00, v0;
	v36 =	vshll.u32 v4, $0x3;
	v5 =	vshll.u32 v5, $0x3;
	v40 =	vld [tilespmem:$0x20]  }
0x1b: {  	v4 =	vand.u32 $0x5F, v37;
	v6 =	vand.u32 $0x6F, v6;
	v5 =	vand.u32 $0x1C00, v5;
	v9 =	vld [tilespmem:$0x30]  }
0x1c: {  	v1 =	vand.u32 $0x7F, v1;
	v38 =	vor.u32 v6, v5;
	v5 =	vshll.u32 v39, $0x3  }
0x1d: {  	v0 =	vor.u32 v2, v0;
	v2 =	vand.u32 $0x1C00, v36;
	v5 =	vand.u32 $0x1C00, v5  }
0x1e: {  	v2 =	vor.u32 v4, v2;
	v1 =	vor.u32 v1, v5  }
0x1f: {  	vm0 =	vgt.s32 v3, $0x0;
	vm4 =	vgt.s32 v7, $0x0;
	vm5 =	vgt.s32 v40, $0x0  }
0x20: {  	vm6 =	vgt.s32 v9, $0x0;
	v3 =	vnsel vm0, $0x0, v3;
	v7 =	vnsel vm4, $0x0, v7  }
0x21: {  	v6 =	vnsel vm5, $0x0, v40;
	v9 =	vnsel vm6, $0x0, v9;
	v3 =	vmin.u32 v3, $0x1869F  }
0x22: {  	v7 =	vmin.u32 v7, $0x1869F;
	v6 =	vmin.u32 v6, $0x1869F;
	v9 =	vmin.u32 v9, $0x1869F  }
0x23: {  	v8 =	vshll.u32 v3, $0xA;
	v3 =	vshll.u32 v3, $0x7;
	v41 =	vshll.u32 v7, $0xA  }
0x24: {  	v7 =	vshll.u32 v7, $0x7;
	v42 =	vshll.u32 v6, $0xA;
	v6 =	vshll.u32 v6, $0x7  }
0x25: {  	v10 =	vshll.u32 v9, $0xA;
	v9 =	vshll.u32 v9, $0x7;
	v8 =	vand.u32 $0x7FFE000, v8  }
0x26: {  	v3 =	vand.u32 $0x380, v3;
	v7 =	vand.u32 $0x380, v7;
	v6 =	vand.u32 $0x380, v6  }
0x27: {  	v44 =	vand.u32 $0x7FFE000, v10;
	v45 =	vand.u32 $0x380, v9;
	v3 =	vor.u32 v8, v3  }
0x28: {  	v8 =	vand.u32 $0x7FFE000, v41;
	v46 =	vor.u32 v44, v45;
	v3 =	vor.u32 v0, v3  }
0x29: {  	v7 =	vor.u32 v8, v7;
	v8 =	vand.u32 $0x7FFE000, v42;
	v47 =	vor.u32 v1, v46;
	[tilespmem:$0x180] =	vst v3  }
0x2a: {  	v7 =	vor.u32 v2, v7;
	v43 =	vor.u32 v8, v6;
	[tilespmem:$0x1B0] =	vst v47  }
0x2b: {  	[tilespmem:$0x190] =	vst v7;
	v3 =	vor.u32 v38, v43  }
0x2c: {  	s25 =	simm.s32 $0x40;
	s26 =	simm.s32 $0x180;
	s11 =	simm.s32 $0x280;
	[tilespmem:$0x1A0] =	vst v3  }
0x2d: {  	[tilespmem:s11], [sflag:$0x1] =	stream.indirect.gather [hbm4b:s8+s25], $0x1, s26, s25, $0xb8;
	[tilespmem:$0x590] =	vst v63  }
0x2e: {  	v48 =	vld [tilespmem:$0x80]  }
0x2f: {  	v49 =	vld [tilespmem:$0x90]  }
0x30: {  	v50 =	vld [tilespmem:$0xA0]  }
0x31: {  	v52 =	vld [tilespmem:$0xB0];
	_ =	sdelay $0x3  }
0x32: {  	vm7 =	vgt.s32 v48, $0x0  }
0x33: {  	vm8 =	vgt.s32 v49, $0x0;
	vm9 =	vgt.s32 v50, $0x0;
	vm10 =	vgt.s32 v52, $0x0  }
0x34: {  	v3 =	vnsel vm7, $0x0, v48;
	v5 =	vnsel vm8, $0x0, v49;
	v6 =	vnsel vm9, $0x0, v50  }
0x35: {  	v56 =	vnsel vm10, $0x0, v52;
	v3 =	vmin.u32 v3, $0xC7;
	v53 =	vmin.u32 v5, $0xC7  }
0x36: {  	v54 =	vmin.u32 v6, $0xC7;
	v6 =	vmin.u32 v56, $0xC7;
	v51 =	vshll.u32 v3, $0xA  }
0x37: {  	v3 =	vshll.u32 v3, $0x7;
	v5 =	vshll.u32 v53, $0xA;
	v55 =	vshll.u32 v54, $0xA  }
0x38: {  	v57 =	vshll.u32 v6, $0xA;
	v7 =	vand.u32 $0x3E000, v51;
	v3 =	vand.u32 $0x380, v3  }
0x39: {  	v6 =	vshll.u32 v6, $0x7;
	v59 =	vand.u32 $0x3E000, v57;
	v3 =	vor.u32 v7, v3  }
0x3a: {  	v60 =	vand.u32 $0x380, v6;
	v0 =	vor.u32 v0, v3;
	v3 =	vshll.u32 v53, $0x7  }
0x3b: {  	v5 =	vand.u32 $0x3E000, v5;
	v61 =	vor.u32 v59, v60;
	v3 =	vand.u32 $0x380, v3  }
0x3c: {  	v62 =	vor.u32 v1, v61;
	v3 =	vor.u32 v5, v3;
	v5 =	vshll.u32 v54, $0x7  }
0x3d: {  	[tilespmem:$0x200] =	vst v0;
	v2 =	vor.u32 v2, v3;
	v3 =	vand.u32 $0x3E000, v55;
	v5 =	vand.u32 $0x380, v5  }
0x3e: {  	[tilespmem:$0x230] =	vst v62;
	v58 =	vor.u32 v3, v5  }
0x3f: {  	[tilespmem:$0x210] =	vst v2;
	v0 =	vor.u32 v38, v58  }
0x40: {  	s28 =	simm.s32 $0x200;
	s29 =	simm.s32 $0x300;
	[tilespmem:$0x220] =	vst v0  }
0x41: {  	[tilespmem:s29], [sflag:$0x2] =	stream.indirect.gather [hbm4b:s5+s25], $0x1, s28, s25, $0xb8;
	[tilespmem:$0x590] =	vst v63  }
0x42: {  	_ =	swait.ge [sflag:s19], $0x40  }
0x43: {  	[sflag:s19] =	ssyncset.done $0x0  }
0x44: {  	[sflag:s19] =	ssyncadd.s32 $0xFFFFFFC0  }
0x45: {  	_ =	swait.ge [sflag:s20], $0x40  }
0x46: {  	[sflag:s20] =	ssyncset.done $0x0  }
0x47: {  	[sflag:s20] =	ssyncadd.s32 $0xFFFFFFC0  }
0x48: {  	v63 =	vld [tilespmem:$0x100]  }
0x49: {  	v8 =	vld [tilespmem:$0x280]  }
0x4a: {  	v9 =	vld [tilespmem:$0x300]  }
0x4b: {  	v10 =	vld [tilespmem:$0x0];
	_ =	sdelay $0x1  }
0x4c: {  	v11 =	vsub.f32 $1.000000000e+00, v63;
	_ =	sdelay $0x1  }
0x4d: {  	v0 =	vmul.f32 v8, v63;
	v12 =	vmul.f32 v9, v11  }
0x4e: {  	vm11 =	vlt.s32 v10, $0x186A0  }
0x4f: {  	v13 =	vld [tilespmem:$0x110];
	v0 =	vsel vm11, v0, v12  }
0x50: {  	v14 =	vld [tilespmem:$0x290];
	v0 =	vadd.f32 $9.999999960e-13, v0  }
0x51: {  	v15 =	vld [tilespmem:$0x310]  }
0x52: {  	v17 =	vld [tilespmem:$0x10];
	v16 =	vand.u32 $0x7FFFFF, v0  }
0x53: {  	v20 =	vld [tilespmem:$0x120];
	v4 =	vor.u32 $0x3F800000, v16  }
0x54: {  	v21 =	vld [tilespmem:$0x2A0];
	v19 =	vsub.f32 $1.000000000e+00, v13;
	v18 =	vmul.f32 $5.000000000e-01, v4  }
0x55: {  	v23 =	vld [tilespmem:$0x320];
	vm1 =	vgt.f32 v4, $1.414213540e+00  }
0x56: {  	v24 =	vld [tilespmem:$0x20];
	v1 =	vmul.f32 v14, v13;
	v22 =	vmul.f32 v15, v19;
	v4 =	vsel vm1, v18, v4  }
0x57: {  	vm12 =	vlt.s32 v17, $0x186A0;
	v6 =	vadd.f32 $1.000000000e+00, v4  }
0x58: {  	v26 =	vld [tilespmem:$0x130];
	v25 =	vsub.f32 $1.000000000e+00, v20;
	v1 =	vsel vm12, v1, v22  }
0x59: {  	v28 =	vld [tilespmem:$0x2B0];
	v1 =	vadd.f32 $9.999999960e-13, v1;
	(erf) = vrcp.f32 v6  }
0x5a: {  	v29 =	vld [tilespmem:$0x330];
	v8 =	vmul.f32 v21, v20;
	v2 =	vmul.f32 v23, v25  }
0x5b: {  	v31 =	vld [tilespmem:$0x30];
	vm13 =	vlt.s32 v24, $0x186A0;
	v27 =	vand.u32 $0x7FFFFF, v1  }
0x5c: {  	v2 =	vsel vm13, v8, v2;
	v7 =	vor.u32 $0x3F800000, v27  }
0x5d: {  	v32 =	vsub.f32 $1.000000000e+00, v26;
	v2 =	vadd.f32 $9.999999960e-13, v2;
	v30 =	vmul.f32 $5.000000000e-01, v7  }
0x5e: {  	v3 =	vmul.f32 v28, v26;
	vm2 =	vgt.f32 v7, $1.414213540e+00  }
0x5f: {  	v5 =	vmul.f32 v29, v32;
	v11 =	vand.u32 $0x7FFFFF, v2;
	v7 =	vsel vm2, v30, v7  }
0x60: {  	vm14 =	vlt.s32 v31, $0x186A0;
	v11 =	vor.u32 $0x3F800000, v11;
	v33 =	vadd.f32 $1.000000000e+00, v7  }
0x61: {  	v3 =	vsel vm14, v3, v5;
	v35 =	vmul.f32 $5.000000000e-01, v11  }
0x62: {  	v3 =	vadd.f32 $9.999999960e-13, v3;
	vm3 =	vgt.f32 v11, $1.414213540e+00;
	v34 =	vpop (erf);
	(erf) = vrcp.f32 v33  }
0x63: {  	v36 =	vsel vm3, v35, v11  }
0x64: {  	v38 =	vand.u32 $0x7FFFFF, v3;
	v37 =	vadd.f32 $1.000000000e+00, v36  }
0x65: {  	v40 =	vor.u32 $0x3F800000, v38;
	v4 =	vadd.f32 $-1.000000000e+00, v4  }
0x66: {  	v9 =	vmul.f32 $5.000000000e-01, v40;
	(erf) = vrcp.f32 v37  }
0x67: {  	vm15 =	vgt.f32 v40, $1.414213540e+00;
	v4 =	vmul.f32 v34, v4  }
0x68: {  	v8 =	vsel vm15, v9, v40  }
0x69: {  	v43 =	vadd.f32 $1.000000000e+00, v8;
	v6 =	vmul.f32 v4, v4;
	_ =	sdelay $0x1  }
0x6a: {  	v7 =	vadd.f32 $-1.000000000e+00, v7;
	v39 =	vmul.f32 $1.111111120e-01, v6;
	v42 =	vpop (erf);
	(erf) = vrcp.f32 v43;
	_ =	sdelay $0x1  }
0x6b: {  	v44 =	vimm.s32 $0x0;
	v10 =	vadd.f32 $1.428571490e-01, v39;
	v7 =	vmul.f32 v42, v7  }
0x6c: {  	v0 =	vshra.s32 v0, $0x17;
	v1 =	vshra.s32 v1, $0x17;
	v5 =	vadd.f32 $-1.000000000e+00, v36  }
0x6d: {  	v2 =	vshra.s32 v2, $0x17;
	v41 =	vmul.f32 v10, v6;
	v13 =	vpop (erf);
	v10 =	vmul.f32 v7, v7  }
0x6e: {  	v3 =	vshra.s32 v3, $0x17;
	v12 =	vsel vm1, $0x1, v44;
	v5 =	vmul.f32 v13, v5  }
0x6f: {  	v49 =	vsel vm2, $0x1, v44;
	v9 =	vadd.f32 $2.000000030e-01, v41;
	v14 =	vmul.f32 $1.111111120e-01, v10  }
0x70: {  	v15 =	vsel vm3, $0x1, v44;
	v59 =	vsel vm15, $0x1, v44;
	v46 =	vmul.f32 v5, v5  }
0x71: {  	v8 =	vadd.f32 $-1.000000000e+00, v8;
	v9 =	vmul.f32 v9, v6;
	v45 =	vadd.f32 $1.428571490e-01, v14  }
0x72: {  	v0 =	vadd.s32 v12, v0;
	v1 =	vadd.s32 v49, v1;
	v47 =	vmul.f32 $1.111111120e-01, v46;
	v48 =	vpop (erf)  }
0x73: {  	v9 =	vadd.f32 $3.333333430e-01, v9;
	v12 =	vmul.f32 v45, v10;
	v8 =	vmul.f32 v48, v8  }
0x74: {  	v2 =	vadd.s32 v15, v2;
	v0 =	vadd.s32 $0xFFFFFF81, v0;
	v13 =	vadd.f32 $1.428571490e-01, v47  }
0x75: {  	v6 =	vmul.f32 v9, v6;
	v12 =	vadd.f32 $2.000000030e-01, v12;
	v52 =	vmul.f32 v8, v8  }
0x76: {  	v0 =	vcvt.s32.f32 v0;
	v4 =	vadd.f32 v4, v4;
	v51 =	vmul.f32 v13, v46  }
0x77: {  	v6 =	vadd.f32 $1.000000000e+00, v6;
	v50 =	vmul.f32 v12, v10;
	v53 =	vmul.f32 $1.111111120e-01, v52  }
0x78: {  	v1 =	vadd.s32 $0xFFFFFF81, v1;
	v0 =	vmul.f32 $6.931471820e-01, v0;
	v12 =	vadd.f32 $2.000000030e-01, v51  }
0x79: {  	v4 =	vmul.f32 v6, v4;
	v6 =	vadd.f32 $3.333333430e-01, v50;
	v55 =	vadd.f32 $1.428571490e-01, v53  }
0x7a: {  	v1 =	vcvt.s32.f32 v1;
	v0 =	vadd.f32 $0.0e+00, v0;
	v54 =	vmul.f32 v12, v46  }
0x7b: {  	v7 =	vadd.f32 v7, v7;
	v6 =	vmul.f32 v6, v10;
	v10 =	vmul.f32 v55, v52  }
0x7c: {  	v2 =	vadd.s32 $0xFFFFFF81, v2;
	v0 =	vadd.f32 v4, v0;
	v4 =	vadd.f32 $3.333333430e-01, v54  }
0x7d: {  	v1 =	vmul.f32 $6.931471820e-01, v1;
	v6 =	vadd.f32 $1.000000000e+00, v6;
	v57 =	vadd.f32 $2.000000030e-01, v10  }
0x7e: {  	v58 =	vcvt.s32.f32 v2;
	v2 =	vadd.s32 v59, v3;
	v4 =	vmul.f32 v4, v46  }
0x7f: {  	v0 =	vadd.f32 v0, v1;
	v56 =	vmul.f32 v6, v7;
	v6 =	vmul.f32 v57, v52  }
0x80: {  	v2 =	vadd.s32 $0xFFFFFF81, v2;
	v5 =	vadd.f32 v5, v5;
	v4 =	vadd.f32 $1.000000000e+00, v4  }
0x81: {  	v1 =	vmul.f32 $6.931471820e-01, v58;
	v0 =	vadd.f32 v56, v0;
	v60 =	vadd.f32 $3.333333430e-01, v6  }
0x82: {  	v2 =	vcvt.s32.f32 v2  }
0x83: {  	v61 =	vmul.f32 v4, v5;
	v0 =	vadd.f32 v0, v1;
	v3 =	vmul.f32 v60, v52  }
0x84: {  	v63 =	vadd.f32 v8, v8  }
0x85: {  	v2 =	vmul.f32 $6.931471820e-01, v2;
	v0 =	vadd.f32 v61, v0;
	v62 =	vadd.f32 $1.000000000e+00, v3;
	_ =	sdelay $0x1  }
0x86: {  	v0 =	vadd.f32 v0, v2;
	v1 =	vmul.f32 v62, v63;
	_ =	sdelay $0x1  }
0x87: {  	v0 =	vadd.f32 v1, v0  }
0x88: {  	s4 =	sshrl.u32 s21, $0x2  }
0x89: {  	s30 =	simm.s32 $0x380;
	s31 =	simm.s32 $0x3;
	s4 =	sadd.s32 s4, s2;
	[tilespmem:$0x380] =	vst v0  }
0x8a: {  	[spmem:s4] =	stream.linear.scatter [tilespmem:s30], [sflag:$0x3], $0x10, $0x38;
	[tilespmem:$0x590] =	vst v63  }
0x8b: {  	_ =	swait.ge [sflag:s31], $0x10  }
0x8c: {  	[sflag:s31] =	ssyncset.done $0x0  }
0x8d: {  	[sflag:s31] =	ssyncadd.s32 $0xFFFFFFF0  }
0x8e: {  	p0 =	sne.s32 s3, $0x0;
	[bflag:$0x0] =	sbarrier.arrive $0xFFFF  }
0x8f: {  	_ =	sfence.sel @p0 $0x180000  }
0x90: {  	[bflag:$0x0] =	sbarrier.arrive @p0 $0xFFFF  }
0x91: {  	_ =	strace @p0 $0x90000047  }
0x92: {  	s3 =	simm.s32 @!p0 $0x400;
	[bflag:$0x2] =	sbarrier.arrive @p0 $0xFFFF  }
0x93: {  	[tilespmem:s3], [sflag:$0x3] =	stream.linear.gather @!p0 [spmem:s2], $0x100, $0x38;
	[tilespmem:$0x590] =	vst v63  }
0x94: {  	s2 =	simm.s32 @!p0 $0x3  }
0x95: {  	_ =	swait.ge @!p0 [sflag:s2], $0x100  }
0x96: {  	[sflag:s2] =	ssyncset.done @!p0 $0x0  }
0x97: {  	[sflag:s2] =	ssyncadd.s32 @!p0 $0xFFFFFF00  }
0x98: {  	v0 =	vld @!p0 [tilespmem:$0x400]  }
0x99: {  	v1 =	vld @!p0 [tilespmem:$0x410];
	_ =	sdelay $0x1  }
0x9a: {  	v2 =	vld @!p0 [tilespmem:$0x420];
	_ =	sdelay $0x1  }
0x9b: {  	v3 =	vld @!p0 [tilespmem:$0x430]  }
0x9c: {  	v0 =	vadd.f32 @!p0 v1, v0  }
0x9d: {  	v1 =	vld @!p0 [tilespmem:$0x440]  }
0x9e: {  	v0 =	vadd.f32 @!p0 v2, v0  }
0x9f: {  	v2 =	vld @!p0 [tilespmem:$0x450]  }
0xa0: {  	v0 =	vadd.f32 @!p0 v3, v0  }
0xa1: {  	v3 =	vld @!p0 [tilespmem:$0x460]  }
0xa2: {  	v0 =	vadd.f32 @!p0 v1, v0  }
0xa3: {  	v1 =	vld @!p0 [tilespmem:$0x470]  }
0xa4: {  	v0 =	vadd.f32 @!p0 v2, v0  }
0xa5: {  	v2 =	vld @!p0 [tilespmem:$0x480]  }
0xa6: {  	v0 =	vadd.f32 @!p0 v3, v0  }
0xa7: {  	v3 =	vld @!p0 [tilespmem:$0x490]  }
0xa8: {  	v0 =	vadd.f32 @!p0 v1, v0  }
0xa9: {  	v1 =	vld @!p0 [tilespmem:$0x4A0]  }
0xaa: {  	v0 =	vadd.f32 @!p0 v2, v0  }
0xab: {  	v2 =	vld @!p0 [tilespmem:$0x4B0]  }
0xac: {  	v0 =	vadd.f32 @!p0 v3, v0  }
0xad: {  	v3 =	vld @!p0 [tilespmem:$0x4C0]  }
0xae: {  	v0 =	vadd.f32 @!p0 v1, v0  }
0xaf: {  	v1 =	vld @!p0 [tilespmem:$0x4D0]  }
0xb0: {  	v0 =	vadd.f32 @!p0 v2, v0  }
0xb1: {  	v2 =	vld @!p0 [tilespmem:$0x4E0]  }
0xb2: {  	v0 =	vadd.f32 @!p0 v3, v0  }
0xb3: {  	v3 =	vld @!p0 [tilespmem:$0x4F0]  }
0xb4: {  	v0 =	vadd.f32 @!p0 v1, v0;
	_ =	sdelay $0x1  }
0xb5: {  	v0 =	vadd.f32 @!p0 v2, v0;
	_ =	sdelay $0x1  }
0xb6: {  	v0 =	vadd.f32 @!p0 v3, v0;
	_ =	sdelay $0x1  }
0xb7: {  	(xrf2) =	vadd.scan.msk.f32 @!p0 $0xffff, v0;
	_ =	sdelay $0x9  }
0xb8: {  	v0, _, _ =	vpop @!p0 (xrf2)  }
0xb9: {  	(v2sf) =	vpush @!p0 v0, $0xF;
	_ =	sdelay $0xe  }
0xba: {  	s3 =	spop @!p0 (v2sf)  }
0xbb: {  	s3 =	smul.f32 @!p0 $-9.765625000e-04, s3;
	_ =	sdelay $0x1  }
0xbc: {  	v0 =	vmov @!p0 s3  }
0xbd: {  	v0 =	vadd.f32 @!p0 $0.0e+00, v0;
	_ =	sdelay $0x1  }
0xbe: {  	v0 =	vbroadcast @!p0 v0, $0x0;
	_ =	sdelay $0x1  }
0xbf: {  	s4 =	simm.s32 @!p0 $0x500;
	s3 =	simm.s32 @!p0 $0x0;
	[tilespmem:$0x500] =	vst @!p0 v0  }
0xc0: {  	[hbm4b:s1+s3] =	stream.linear.scatter @!p0 [tilespmem:s4], [sflag:$0x3], $0x80, $0x38;
	[tilespmem:$0x590] =	vst v63  }
0xc1: {  	_ =	swait.ge @!p0 [sflag:s2], $0x80  }
0xc2: {  	[sflag:s2] =	ssyncset.done @!p0 $0x0  }
0xc3: {  	[sflag:s2] =	ssyncadd.s32 @!p0 $0xFFFFFF80  }
0xc4: {  	_ =	sfence.sel @!p0 $0x180000  }
0xc5: {  	[bflag:$0x0] =	sbarrier.arrive @!p0 $0xFFFF  }
0xc6: {  	_ =	strace @!p0 $0x90000047  }
0xc7: {  	s0 =	sadd.s32 @!p0 $0x100000, s0;
	[bflag:$0x2] =	sbarrier.arrive @!p0 $0xFFFF  }
0xc8: {  	[sflag:s0] =	ssyncadd.tile.s32 @!p0 $0x1;
	_ =	shalt  }
.Lfunc_end2:
_tile_overlayer_lowered:
.L_overlay_start_2:
0xc9: {  	(tag) =	ssettag $0x2  }
0xca: {  	s0 =	rddreg [dreg:$0x0];
	s2 =	stileid.u32  }
0xcb: {  	s1 =	rddreg [dreg:$0x1];
	p0 =	sne.s32 s2, $0x0  }
0xcc: {  	s3 =	rddreg [dreg:$0x2];
	[bflag:$0x3] =	sbarrier.arrive $0xFFFF;
	s2 =	simm.s32 @!p0 $0x1C03  }
0xcd: {  	[timem:s3], [sflag:s2] =	dma.local @!p0 [hbm:s0], s1  }
0xce: {  	s0 =	simm.s32 @!p0 $0x3  }
0xcf: {  	_ =	swait.ge @!p0 [sflag:s0], s1  }
0xd0: {  	s1 =	ssub.s32 @!p0 $0x0, s1;
	[sflag:s0] =	ssyncset.done @!p0 $0x0  }
0xd1: {  	[sflag:s0] =	ssyncadd.s32 @!p0 s1  }
0xd2: {  	[bflag:$0x3] =	sbarrier.arrive $0xFFFF  }
0xd3: {  	_ =	shalt  }

</sc_bundles>
